<compile_context>
chip_gen: v7x
topology: tpu7x:2x2x1
jax: 0.10.2.dev20260603
libtpu: 0.0.44.dev20260713+nightly
codegen_flags: <defaults>
</compile_context>

<pallas_src>
import jax
import jax.numpy as jnp
from jax import lax
from jax.experimental import pallas as pl
from jax.experimental.pallas import tpu as pltpu
from jax.experimental.pallas import tpu_sc as plsc

Q = 1024
D = 128
CH = 512
NCH = 196
KPAD = NCH * CH
NKEYS = 100000
MPAD = 256
TOPK = 25
NOUT = 32
ROWS_PER = Q // 32
NEG = -3.0e38
BIG = 2 ** 30


def _k1_body(q_ref, sqq_ref, kt_ref, sqk_ref, sim_ref, m_ref, qn_ref):
    i = pl.program_id(0)

    @pl.when(i == 0)
    def _():
        q = q_ref[...]
        qn = q / jnp.maximum(jnp.sqrt(sqq_ref[...]), 1e-8)
        qn_ref[...] = qn
        m_ref[...] = jnp.full((Q, MPAD), NEG, jnp.float32)

    kb = kt_ref[...]
    nk = jnp.sqrt(sqk_ref[...].reshape(1, CH))
    nkt = nk.reshape(CH, 1)
    kn = kb / jnp.maximum(nkt, 1e-8)
    sim = lax.dot_general(qn_ref[...], kn, (((1,), (1,)), ((), ())),
                          preferred_element_type=jnp.float32,
                          precision=lax.Precision.DEFAULT)
    col = i * CH + lax.broadcasted_iota(jnp.int32, (Q, CH), 1)
    sim = jnp.where(col < NKEYS, sim, NEG)
    sim_ref[...] = sim.reshape(1, Q, CH)
    mx = jnp.max(sim, axis=1, keepdims=True)
    lane = lax.broadcasted_iota(jnp.int32, (Q, MPAD), 1)
    m_ref[...] = jnp.where(lane == i, mx, m_ref[...])


def _k1(queries, sqq, keys_t, sqk, interpret=False):
    return pl.pallas_call(
        _k1_body,
        grid=(NCH,),
        in_specs=[pl.BlockSpec((Q, D), lambda i: (0, 0)),
                  pl.BlockSpec((Q, D), lambda i: (0, 0)),
                  pl.BlockSpec((CH, D), lambda i: (i, 0)),
                  pl.BlockSpec((1, 1, CH), lambda i: (i, 0, 0))],
        out_specs=[pl.BlockSpec((1, Q, CH), lambda i: (i, 0, 0)),
                   pl.BlockSpec((Q, MPAD), lambda i: (0, 0))],
        out_shape=[jax.ShapeDtypeStruct((NCH, Q, CH), jnp.float32),
                   jax.ShapeDtypeStruct((Q, MPAD), jnp.float32)],
        scratch_shapes=[pltpu.VMEM((Q, D), jnp.float32)],
        interpret=interpret,
    )(queries, sqq, keys_t, sqk)


def _k2_body(simc, mh, vals, idxs, m_buf, cidx, cm, chunks, ovals, oidx,
             sem, msem):
    c = lax.axis_index("c")
    s = lax.axis_index("s")
    wid = s * 2 + c
    base = wid * ROWS_PER

    lane = lax.iota(jnp.int32, 16)
    onel = lane == 0

    def full_i(v):
        return jnp.full((16,), v, jnp.int32)

    def full_f(v):
        return jnp.full((16,), v, jnp.float32)

    pltpu.make_async_copy(mh.at[base], m_buf.at[0], msem).start()

    def step(r, _):
        rb = lax.rem(r, 2)
        pb = lax.rem(r + 1, 2)

        @pl.when(r < ROWS_PER)
        def _():
            row = base + r
            pltpu.make_async_copy(mh.at[row], m_buf.at[rb], msem).wait()

            @pl.when(r + 1 < ROWS_PER)
            def _():
                pltpu.make_async_copy(mh.at[row + 1], m_buf.at[pb],
                                      msem).start()

            def sel_body(t, _):
                vmax = m_buf[rb, pl.ds(0, 16)]
                vidx = lane
                for w in range(1, 16):
                    x = m_buf[rb, pl.ds(w * 16, 16)]
                    gt = x > vmax
                    vmax = jnp.where(gt, x, vmax)
                    vidx = jnp.where(gt, lane + w * 16, vidx)
                m = jnp.max(vmax)
                cix = jnp.min(jnp.where(vmax == m, vidx, BIG))
                plsc.store_scatter(cidx, [full_i(rb), full_i(t)],
                                   full_i(cix), mask=onel)
                plsc.store_scatter(cm, [full_i(rb), full_i(t)],
                                   full_f(m), mask=onel)
                plsc.store_scatter(m_buf, [full_i(rb), full_i(cix)],
                                   full_f(NEG), mask=onel)
                return 0

            lax.fori_loop(0, NOUT, sel_body, 0)

        @pl.when(r > 0)
        def _():
            pltpu.make_async_copy(simc.at[pl.ds(0, NOUT)],
                                  chunks.at[lax.rem(r - 1, 2)], sem).wait()

        @pl.when(r < ROWS_PER)
        def _():
            row = base + r
            i0 = cidx[rb, pl.ds(0, 16)] * Q + row
            i1 = cidx[rb, pl.ds(16, 16)] * Q + row
            pltpu.async_copy(simc.at[i0], chunks.at[rb, pl.ds(0, 16)], sem)
            pltpu.async_copy(simc.at[i1], chunks.at[rb, pl.ds(16, 16)], sem)

        @pl.when(r > 0)
        def _():
            rl = r - 1
            qb = lax.rem(rl, 2)

            def ext_body(t, _):
                v0 = cm[qb, pl.ds(0, 16)]
                v1 = cm[qb, pl.ds(16, 16)]
                m = jnp.max(jnp.maximum(v0, v1))
                c0 = cidx[qb, pl.ds(0, 16)]
                c1 = cidx[qb, pl.ds(16, 16)]
                e0 = v0 == m
                e1 = v1 == m
                cix = jnp.min(jnp.minimum(jnp.where(e0, c0, BIG),
                                          jnp.where(e1, c1, BIG)))
                mi = jnp.where(e0 & (c0 == cix), lane, BIG)
                mi = jnp.minimum(
                    mi, jnp.where(e1 & (c1 == cix), lane + 16, BIG))
                j = jnp.min(mi)
                pmin = full_i(BIG)
                ieq = jnp.zeros((16,), jnp.int32)
                nmaxv = full_f(NEG)
                for w in range(32):
                    x = chunks[qb, j, pl.ds(w * 16, 16)]
                    eq = x == m
                    pmin = jnp.minimum(pmin,
                                       jnp.where(eq, lane + w * 16, BIG))
                    ieq = ieq + jnp.where(eq, 1, 0)
                    nmaxv = jnp.maximum(nmaxv, jnp.where(eq, NEG, x))
                p = jnp.min(pmin)
                neq = jnp.sum(ieq)
                ncm = jnp.where(neq >= 2, m, jnp.max(nmaxv))
                plsc.store_scatter(ovals, [full_i(rl), full_i(t)],
                                   full_f(m), mask=onel)
                plsc.store_scatter(oidx, [full_i(rl), full_i(t)],
                                   full_i(cix * CH + p), mask=onel)
                plsc.store_scatter(
                    chunks, [full_i(qb), full_i(j), full_i(p)],
                    full_f(NEG), mask=onel)
                plsc.store_scatter(cm, [full_i(qb), full_i(j)],
                                   full_f(ncm), mask=onel)
                return 0

            lax.fori_loop(0, TOPK, ext_body, 0)

        return 0

    lax.fori_loop(0, ROWS_PER + 1, step, 0)
    pltpu.sync_copy(ovals, vals.at[pl.ds(base, ROWS_PER)])
    pltpu.sync_copy(oidx, idxs.at[pl.ds(base, ROWS_PER)])


def _k2(simc, mh, interpret=False):
    mesh = plsc.VectorSubcoreMesh(core_axis_name="c", subcore_axis_name="s",
                                  num_cores=2, num_subcores=16)
    f = pl.kernel(
        _k2_body,
        out_type=[jax.ShapeDtypeStruct((Q, NOUT), jnp.float32),
                  jax.ShapeDtypeStruct((Q, NOUT), jnp.int32)],
        mesh=mesh,
        scratch_types=[
            pltpu.VMEM((2, MPAD), jnp.float32),
            pltpu.VMEM((2, NOUT), jnp.int32),
            pltpu.VMEM((2, NOUT), jnp.float32),
            pltpu.VMEM((2, NOUT, CH), jnp.float32),
            pltpu.VMEM((ROWS_PER, NOUT), jnp.float32),
            pltpu.VMEM((ROWS_PER, NOUT), jnp.int32),
            pltpu.SemaphoreType.DMA,
            pltpu.SemaphoreType.DMA,
        ],
        compiler_params=pltpu.CompilerParams(needs_layout_passes=False),
        interpret=interpret,
    )
    return f(simc, mh)


def kernel(queries, keys, k):
    sqq = jnp.broadcast_to(
        jnp.sum(queries * queries, axis=-1, keepdims=True), (Q, D))
    sqk = jnp.pad(jnp.sum(keys * keys, axis=-1),
                  (0, KPAD - keys.shape[0]),
                  constant_values=1.0).reshape(NCH, 1, CH)
    sim, mh = _k1(queries, sqq, keys, sqk)
    simc = sim.reshape(NCH * Q, CH)
    vals, idxs = _k2(simc, mh)
    return vals[:, :TOPK], idxs[:, :TOPK]

# --- scband reference (transcript-rebuilt; emitter-appended) ---
"""Pipeline reference for scband-map-variables-84817014162074 (READ-ONLY COPY).

The authoritative reference and input builder live on the scoring server;
editing this copy changes nothing except your own understanding.
"""

import jax, jax.numpy as jnp
import numpy as np


def setup_inputs(seed: int = 0) -> dict:
    key = jax.random.key(seed)
    kq, kk = jax.random.split(key)
    queries = jax.random.normal(kq, (1024, 128), dtype=jnp.float32)
    keys = jax.random.normal(kk, (100000, 128), dtype=jnp.float32)
    return {"queries": queries, "keys": keys, "k": 25}


def reference(queries, keys, k):
    # Faithful to MapVariables.filtering:
    #   sim = torch.nn.CosineSimilarity()(source_embedding, dest_embeddings)
    #   closest = sim.topk(k=min(len(targets), k), largest=True).indices
    # Generalized to a batch of Q query embeddings against K candidate
    # attribute-description embeddings.
    eps = 1e-8
    q_norm = jnp.linalg.norm(queries, axis=-1, keepdims=True)
    k_norm = jnp.linalg.norm(keys, axis=-1, keepdims=True)
    qn = queries / jnp.maximum(q_norm, eps)
    kn = keys / jnp.maximum(k_norm, eps)
    sim = qn @ kn.T  # [Q, K] cosine similarity
    sim = sim + jnp.zeros((), sim.dtype) * k
    kk = min(keys.shape[0], 25)
    vals, idx = jax.lax.top_k(sim, kk)
    return vals, idx

if __name__ == "__main__":
    import jax
    _d = setup_inputs()
    print(jax.jit(kernel)(*tuple(_d.values())))

</pallas_src>

<mosaic_0001>
#map = affine_map<(d0, d1) -> (0, 0)>
module attributes {stable_mosaic.version = 14 : i64} {
  func.func @_k2_body(%arg0: i32, %arg1: i32, %arg2: memref<200704x512xf32, #tpu.memory_space<hbm>>, %arg3: memref<1024x256xf32, #tpu.memory_space<hbm>>, %arg4: memref<1024x32xf32, #tpu.memory_space<hbm>>, %arg5: memref<1024x32xi32, #tpu.memory_space<hbm>>, %arg6: memref<2x256xf32, #tpu.memory_space<vmem>>, %arg7: memref<2x32xi32, #tpu.memory_space<vmem>>, %arg8: memref<2x32xf32, #tpu.memory_space<vmem>>, %arg9: memref<2x32x512xf32, #tpu.memory_space<vmem>>, %arg10: memref<32x32xf32, #tpu.memory_space<vmem>>, %arg11: memref<32x32xi32, #tpu.memory_space<vmem>>, %arg12: memref<!tpu.dma_semaphore, #tpu.memory_space<semaphore_mem>>, %arg13: memref<!tpu.dma_semaphore, #tpu.memory_space<semaphore_mem>>) attributes {dimension_semantics = [#tpu.dimension_semantics<core_parallel>, #tpu.dimension_semantics<subcore_parallel>], iteration_bounds = array<i64: 2, 16>, scalar_prefetch = 0 : i64, scratch_operands = 8 : i64, tpu.core_type = #tpu.core_type<sc_vector_subcore>, window_params = [{transform_indices = #map}, {transform_indices = #map}, {transform_indices = #map}, {transform_indices = #map}]} {
    %mul3A = arith.constant 2 : i32
    %mul3A_0 = arith.muli %arg1, %mul3A : i32
    %add3A = arith.addi %mul3A_0, %arg0 : i32
    %mul3A_1 = arith.constant 32 : i32
    %mul3A_2 = arith.muli %add3A, %mul3A_1 : i32
    %iota3A = tpu.iota {dimensions = array<i32: 0>} : vector<16xi32>
    %eq3A = arith.constant 0 : i32
    %eq3A_3 = vector.broadcast %eq3A : i32 to vector<16xi32>
    %eq3A_4 = arith.cmpi eq, %iota3A, %eq3A_3 : vector<16xi32>
    %dma_start3A = arith.constant 0 : i32
    %dma_start3A_5 = arith.constant 0 : i32
    %dma_start3A_6 = tpu.memref_slice %arg6[%dma_start3A, %dma_start3A_5] : memref<2x256xf32, #tpu.memory_space<vmem>> -> memref<1x256xf32, #tpu.memory_space<vmem>>
    %dma_start3A_7 = tpu.memref_squeeze %dma_start3A_6 : memref<1x256xf32, #tpu.memory_space<vmem>> -> memref<256xf32, #tpu.memory_space<vmem>>
    %dma_start3A_8 = arith.constant 0 : i32
    %dma_start3A_9 = tpu.memref_slice %arg3[%mul3A_2, %dma_start3A_8] : memref<1024x256xf32, #tpu.memory_space<hbm>> -> memref<1x256xf32, #tpu.memory_space<hbm>>
    %dma_start3A_10 = tpu.memref_squeeze %dma_start3A_9 : memref<1x256xf32, #tpu.memory_space<hbm>> -> memref<256xf32, #tpu.memory_space<hbm>>
    %dma_start3A_11 = arith.constant 0 : i32
    %dma_start3A_12 = tpu.memref_slice %arg6[%dma_start3A, %dma_start3A_11] : memref<2x256xf32, #tpu.memory_space<vmem>> -> memref<1x256xf32, #tpu.memory_space<vmem>>
    %dma_start3A_13 = tpu.memref_squeeze %dma_start3A_12 : memref<1x256xf32, #tpu.memory_space<vmem>> -> memref<256xf32, #tpu.memory_space<vmem>>
    %dma_start3A_14 = arith.constant 0 : i32
    %dma_start3A_15 = tpu.memref_slice %arg3[%mul3A_2, %dma_start3A_14] : memref<1024x256xf32, #tpu.memory_space<hbm>> -> memref<1x256xf32, #tpu.memory_space<hbm>>
    %dma_start3A_16 = tpu.memref_squeeze %dma_start3A_15 : memref<1x256xf32, #tpu.memory_space<hbm>> -> memref<256xf32, #tpu.memory_space<hbm>>
    tpu.enqueue_dma source(%dma_start3A_16 : memref<256xf32, #tpu.memory_space<hbm>>) target(%dma_start3A_13 : memref<256xf32, #tpu.memory_space<vmem>>) target_semaphore(%arg13 : memref<!tpu.dma_semaphore, #tpu.memory_space<semaphore_mem>>)
    %scan3A = arith.constant 0 : i32
    %scan3A_17 = arith.constant 0 : i32
    %scan3A_18 = arith.constant 33 : i32
    %scan3A_19 = arith.addi %scan3A_17, %scan3A_18 : i32
    %scan3A_20 = arith.constant 1 : i32
    %scan3A_21 = scf.for %scan3A_23 = %scan3A_17 to %scan3A_19 step %scan3A_20 iter_args(%scan3A_24 = %scan3A) -> (i32)  : i32 {
      %rem3A = arith.constant 2 : i32
      %rem3A_25 = arith.remsi %scan3A_23, %rem3A : i32
      %add3A_26 = arith.constant 1 : i32
      %add3A_27 = arith.addi %scan3A_23, %add3A_26 : i32
      %rem3A_28 = arith.constant 2 : i32
      %rem3A_29 = arith.remsi %add3A_27, %rem3A_28 : i32
      %lt3A = arith.constant 32 : i32
      %lt3A_30 = arith.cmpi slt, %scan3A_23, %lt3A : i32
      %convert_element_type3A = arith.extui %lt3A_30 : i1 to i32
      %cond3A = arith.constant 0 : i32
      %cond3A_31 = arith.cmpi ne, %convert_element_type3A, %cond3A : i32
      scf.if %cond3A_31 {
        %add3A_47 = arith.addi %mul3A_2, %scan3A_23 : i32
        %dma_wait3A = arith.constant 0 : i32
        %dma_wait3A_48 = tpu.memref_slice %arg6[%rem3A_25, %dma_wait3A] : memref<2x256xf32, #tpu.memory_space<vmem>> -> memref<1x256xf32, #tpu.memory_space<vmem>>
        %dma_wait3A_49 = tpu.memref_squeeze %dma_wait3A_48 : memref<1x256xf32, #tpu.memory_space<vmem>> -> memref<256xf32, #tpu.memory_space<vmem>>
        %dma_wait3A_50 = arith.constant 0 : i32
        %dma_wait3A_51 = tpu.memref_slice %arg3[%add3A_47, %dma_wait3A_50] : memref<1024x256xf32, #tpu.memory_space<hbm>> -> memref<1x256xf32, #tpu.memory_space<hbm>>
        %dma_wait3A_52 = tpu.memref_squeeze %dma_wait3A_51 : memref<1x256xf32, #tpu.memory_space<hbm>> -> memref<256xf32, #tpu.memory_space<hbm>>
        %dma_wait3A_53 = arith.constant 0 : i32
        %dma_wait3A_54 = tpu.memref_slice %arg6[%rem3A_25, %dma_wait3A_53] : memref<2x256xf32, #tpu.memory_space<vmem>> -> memref<1x256xf32, #tpu.memory_space<vmem>>
        %dma_wait3A_55 = tpu.memref_squeeze %dma_wait3A_54 : memref<1x256xf32, #tpu.memory_space<vmem>> -> memref<256xf32, #tpu.memory_space<vmem>>
        %dma_wait3A_56 = arith.constant 0 : i32
        %dma_wait3A_57 = tpu.memref_slice %arg3[%add3A_47, %dma_wait3A_56] : memref<1024x256xf32, #tpu.memory_space<hbm>> -> memref<1x256xf32, #tpu.memory_space<hbm>>
        %dma_wait3A_58 = tpu.memref_squeeze %dma_wait3A_57 : memref<1x256xf32, #tpu.memory_space<hbm>> -> memref<256xf32, #tpu.memory_space<hbm>>
        tpu.wait_dma2 semaphore(%arg13 : memref<!tpu.dma_semaphore, #tpu.memory_space<semaphore_mem>>) src(%dma_wait3A_58 : memref<256xf32, #tpu.memory_space<hbm>>) dst(%dma_wait3A_55 : memref<256xf32, #tpu.memory_space<vmem>>)
        %add3A_59 = arith.constant 1 : i32
        %add3A_60 = arith.addi %scan3A_23, %add3A_59 : i32
        %lt3A_61 = arith.constant 32 : i32
        %lt3A_62 = arith.cmpi slt, %add3A_60, %lt3A_61 : i32
        %convert_element_type3A_63 = arith.extui %lt3A_62 : i1 to i32
        %cond3A_64 = arith.constant 0 : i32
        %cond3A_65 = arith.cmpi ne, %convert_element_type3A_63, %cond3A_64 : i32
        scf.if %cond3A_65 {
          %add3A_73 = arith.constant 1 : i32
          %add3A_74 = arith.addi %add3A_47, %add3A_73 : i32
          %dma_start3A_75 = arith.constant 0 : i32
          %dma_start3A_76 = tpu.memref_slice %arg6[%rem3A_29, %dma_start3A_75] : memref<2x256xf32, #tpu.memory_space<vmem>> -> memref<1x256xf32, #tpu.memory_space<vmem>>
          %dma_start3A_77 = tpu.memref_squeeze %dma_start3A_76 : memref<1x256xf32, #tpu.memory_space<vmem>> -> memref<256xf32, #tpu.memory_space<vmem>>
          %dma_start3A_78 = arith.constant 0 : i32
          %dma_start3A_79 = tpu.memref_slice %arg3[%add3A_74, %dma_start3A_78] : memref<1024x256xf32, #tpu.memory_space<hbm>> -> memref<1x256xf32, #tpu.memory_space<hbm>>
          %dma_start3A_80 = tpu.memref_squeeze %dma_start3A_79 : memref<1x256xf32, #tpu.memory_space<hbm>> -> memref<256xf32, #tpu.memory_space<hbm>>
          %dma_start3A_81 = arith.constant 0 : i32
          %dma_start3A_82 = tpu.memref_slice %arg6[%rem3A_29, %dma_start3A_81] : memref<2x256xf32, #tpu.memory_space<vmem>> -> memref<1x256xf32, #tpu.memory_space<vmem>>
          %dma_start3A_83 = tpu.memref_squeeze %dma_start3A_82 : memref<1x256xf32, #tpu.memory_space<vmem>> -> memref<256xf32, #tpu.memory_space<vmem>>
          %dma_start3A_84 = arith.constant 0 : i32
          %dma_start3A_85 = tpu.memref_slice %arg3[%add3A_74, %dma_start3A_84] : memref<1024x256xf32, #tpu.memory_space<hbm>> -> memref<1x256xf32, #tpu.memory_space<hbm>>
          %dma_start3A_86 = tpu.memref_squeeze %dma_start3A_85 : memref<1x256xf32, #tpu.memory_space<hbm>> -> memref<256xf32, #tpu.memory_space<hbm>>
          tpu.enqueue_dma source(%dma_start3A_86 : memref<256xf32, #tpu.memory_space<hbm>>) target(%dma_start3A_83 : memref<256xf32, #tpu.memory_space<vmem>>) target_semaphore(%arg13 : memref<!tpu.dma_semaphore, #tpu.memory_space<semaphore_mem>>)
        } else {
        }
        %scan3A_66 = arith.constant 0 : i32
        %scan3A_67 = arith.constant 0 : i32
        %scan3A_68 = arith.constant 32 : i32
        %scan3A_69 = arith.addi %scan3A_67, %scan3A_68 : i32
        %scan3A_70 = arith.constant 1 : i32
        %scan3A_71 = scf.for %scan3A_73 = %scan3A_67 to %scan3A_69 step %scan3A_70 iter_args(%scan3A_74 = %scan3A_66) -> (i32)  : i32 {
          %get3A = arith.index_cast %rem3A_25 : i32 to index
          %get3A_75 = arith.constant 0 : index
          %get3A_76 = tpu.vector_load %arg6[%get3A, %get3A_75] {strides = array<i32>} : memref<2x256xf32, #tpu.memory_space<vmem>>, vector<16xf32>,
          %get3A_77 = arith.index_cast %rem3A_25 : i32 to index
          %get3A_78 = arith.constant 16 : index
          %get3A_79 = tpu.vector_load %arg6[%get3A_77, %get3A_78] {strides = array<i32>} : memref<2x256xf32, #tpu.memory_space<vmem>>, vector<16xf32>,
          %gt3A_80 = arith.cmpf ogt, %get3A_79, %get3A_76 : vector<16xf32>
          %select_n3A = arith.select %gt3A_80, %get3A_79, %get3A_76 : vector<16xi1>, vector<16xf32>
          %add3A_81 = arith.constant 16 : i32
          %add3A_82 = vector.broadcast %add3A_81 : i32 to vector<16xi32>
          %add3A_83 = arith.addi %iota3A, %add3A_82 : vector<16xi32>
          %select_n3A_84 = arith.select %gt3A_80, %add3A_83, %iota3A : vector<16xi1>, vector<16xi32>
          %get3A_85 = arith.index_cast %rem3A_25 : i32 to index
          %get3A_86 = arith.constant 32 : index
          %get3A_87 = tpu.vector_load %arg6[%get3A_85, %get3A_86] {strides = array<i32>} : memref<2x256xf32, #tpu.memory_space<vmem>>, vector<16xf32>,
          %gt3A_88 = arith.cmpf ogt, %get3A_87, %select_n3A : vector<16xf32>
          %select_n3A_89 = arith.select %gt3A_88, %get3A_87, %select_n3A : vector<16xi1>, vector<16xf32>
          %add3A_90 = arith.constant 32 : i32
          %add3A_91 = vector.broadcast %add3A_90 : i32 to vector<16xi32>
          %add3A_92 = arith.addi %iota3A, %add3A_91 : vector<16xi32>
          %select_n3A_93 = arith.select %gt3A_88, %add3A_92, %select_n3A_84 : vector<16xi1>, vector<16xi32>
          %get3A_94 = arith.index_cast %rem3A_25 : i32 to index
          %get3A_95 = arith.constant 48 : index
          %get3A_96 = tpu.vector_load %arg6[%get3A_94, %get3A_95] {strides = array<i32>} : memref<2x256xf32, #tpu.memory_space<vmem>>, vector<16xf32>,
          %gt3A_97 = arith.cmpf ogt, %get3A_96, %select_n3A_89 : vector<16xf32>
          %select_n3A_98 = arith.select %gt3A_97, %get3A_96, %select_n3A_89 : vector<16xi1>, vector<16xf32>
          %add3A_99 = arith.constant 48 : i32
          %add3A_100 = vector.broadcast %add3A_99 : i32 to vector<16xi32>
          %add3A_101 = arith.addi %iota3A, %add3A_100 : vector<16xi32>
          %select_n3A_102 = arith.select %gt3A_97, %add3A_101, %select_n3A_93 : vector<16xi1>, vector<16xi32>
          %get3A_103 = arith.index_cast %rem3A_25 : i32 to index
          %get3A_104 = arith.constant 64 : index
          %get3A_105 = tpu.vector_load %arg6[%get3A_103, %get3A_104] {strides = array<i32>} : memref<2x256xf32, #tpu.memory_space<vmem>>, vector<16xf32>,
          %gt3A_106 = arith.cmpf ogt, %get3A_105, %select_n3A_98 : vector<16xf32>
          %select_n3A_107 = arith.select %gt3A_106, %get3A_105, %select_n3A_98 : vector<16xi1>, vector<16xf32>
          %add3A_108 = arith.constant 64 : i32
          %add3A_109 = vector.broadcast %add3A_108 : i32 to vector<16xi32>
          %add3A_110 = arith.addi %iota3A, %add3A_109 : vector<16xi32>
          %select_n3A_111 = arith.select %gt3A_106, %add3A_110, %select_n3A_102 : vector<16xi1>, vector<16xi32>
          %get3A_112 = arith.index_cast %rem3A_25 : i32 to index
          %get3A_113 = arith.constant 80 : index
          %get3A_114 = tpu.vector_load %arg6[%get3A_112, %get3A_113] {strides = array<i32>} : memref<2x256xf32, #tpu.memory_space<vmem>>, vector<16xf32>,
          %gt3A_115 = arith.cmpf ogt, %get3A_114, %select_n3A_107 : vector<16xf32>
          %select_n3A_116 = arith.select %gt3A_115, %get3A_114, %select_n3A_107 : vector<16xi1>, vector<16xf32>
          %add3A_117 = arith.constant 80 : i32
          %add3A_118 = vector.broadcast %add3A_117 : i32 to vector<16xi32>
          %add3A_119 = arith.addi %iota3A, %add3A_118 : vector<16xi32>
          %select_n3A_120 = arith.select %gt3A_115, %add3A_119, %select_n3A_111 : vector<16xi1>, vector<16xi32>
          %get3A_121 = arith.index_cast %rem3A_25 : i32 to index
          %get3A_122 = arith.constant 96 : index
          %get3A_123 = tpu.vector_load %arg6[%get3A_121, %get3A_122] {strides = array<i32>} : memref<2x256xf32, #tpu.memory_space<vmem>>, vector<16xf32>,
          %gt3A_124 = arith.cmpf ogt, %get3A_123, %select_n3A_116 : vector<16xf32>
          %select_n3A_125 = arith.select %gt3A_124, %get3A_123, %select_n3A_116 : vector<16xi1>, vector<16xf32>
          %add3A_126 = arith.constant 96 : i32
          %add3A_127 = vector.broadcast %add3A_126 : i32 to vector<16xi32>
          %add3A_128 = arith.addi %iota3A, %add3A_127 : vector<16xi32>
          %select_n3A_129 = arith.select %gt3A_124, %add3A_128, %select_n3A_120 : vector<16xi1>, vector<16xi32>
          %get3A_130 = arith.index_cast %rem3A_25 : i32 to index
          %get3A_131 = arith.constant 112 : index
          %get3A_132 = tpu.vector_load %arg6[%get3A_130, %get3A_131] {strides = array<i32>} : memref<2x256xf32, #tpu.memory_space<vmem>>, vector<16xf32>,
          %gt3A_133 = arith.cmpf ogt, %get3A_132, %select_n3A_125 : vector<16xf32>
          %select_n3A_134 = arith.select %gt3A_133, %get3A_132, %select_n3A_125 : vector<16xi1>, vector<16xf32>
          %add3A_135 = arith.constant 112 : i32
          %add3A_136 = vector.broadcast %add3A_135 : i32 to vector<16xi32>
          %add3A_137 = arith.addi %iota3A, %add3A_136 : vector<16xi32>
          %select_n3A_138 = arith.select %gt3A_133, %add3A_137, %select_n3A_129 : vector<16xi1>, vector<16xi32>
          %get3A_139 = arith.index_cast %rem3A_25 : i32 to index
          %get3A_140 = arith.constant 128 : index
          %get3A_141 = tpu.vector_load %arg6[%get3A_139, %get3A_140] {strides = array<i32>} : memref<2x256xf32, #tpu.memory_space<vmem>>, vector<16xf32>,
          %gt3A_142 = arith.cmpf ogt, %get3A_141, %select_n3A_134 : vector<16xf32>
          %select_n3A_143 = arith.select %gt3A_142, %get3A_141, %select_n3A_134 : vector<16xi1>, vector<16xf32>
          %add3A_144 = arith.constant 128 : i32
          %add3A_145 = vector.broadcast %add3A_144 : i32 to vector<16xi32>
          %add3A_146 = arith.addi %iota3A, %add3A_145 : vector<16xi32>
          %select_n3A_147 = arith.select %gt3A_142, %add3A_146, %select_n3A_138 : vector<16xi1>, vector<16xi32>
          %get3A_148 = arith.index_cast %rem3A_25 : i32 to index
          %get3A_149 = arith.constant 144 : index
          %get3A_150 = tpu.vector_load %arg6[%get3A_148, %get3A_149] {strides = array<i32>} : memref<2x256xf32, #tpu.memory_space<vmem>>, vector<16xf32>,
          %gt3A_151 = arith.cmpf ogt, %get3A_150, %select_n3A_143 : vector<16xf32>
          %select_n3A_152 = arith.select %gt3A_151, %get3A_150, %select_n3A_143 : vector<16xi1>, vector<16xf32>
          %add3A_153 = arith.constant 144 : i32
          %add3A_154 = vector.broadcast %add3A_153 : i32 to vector<16xi32>
          %add3A_155 = arith.addi %iota3A, %add3A_154 : vector<16xi32>
          %select_n3A_156 = arith.select %gt3A_151, %add3A_155, %select_n3A_147 : vector<16xi1>, vector<16xi32>
          %get3A_157 = arith.index_cast %rem3A_25 : i32 to index
          %get3A_158 = arith.constant 160 : index
          %get3A_159 = tpu.vector_load %arg6[%get3A_157, %get3A_158] {strides = array<i32>} : memref<2x256xf32, #tpu.memory_space<vmem>>, vector<16xf32>,
          %gt3A_160 = arith.cmpf ogt, %get3A_159, %select_n3A_152 : vector<16xf32>
          %select_n3A_161 = arith.select %gt3A_160, %get3A_159, %select_n3A_152 : vector<16xi1>, vector<16xf32>
          %add3A_162 = arith.constant 160 : i32
          %add3A_163 = vector.broadcast %add3A_162 : i32 to vector<16xi32>
          %add3A_164 = arith.addi %iota3A, %add3A_163 : vector<16xi32>
          %select_n3A_165 = arith.select %gt3A_160, %add3A_164, %select_n3A_156 : vector<16xi1>, vector<16xi32>
          %get3A_166 = arith.index_cast %rem3A_25 : i32 to index
          %get3A_167 = arith.constant 176 : index
          %get3A_168 = tpu.vector_load %arg6[%get3A_166, %get3A_167] {strides = array<i32>} : memref<2x256xf32, #tpu.memory_space<vmem>>, vector<16xf32>,
          %gt3A_169 = arith.cmpf ogt, %get3A_168, %select_n3A_161 : vector<16xf32>
          %select_n3A_170 = arith.select %gt3A_169, %get3A_168, %select_n3A_161 : vector<16xi1>, vector<16xf32>
          %add3A_171 = arith.constant 176 : i32
          %add3A_172 = vector.broadcast %add3A_171 : i32 to vector<16xi32>
          %add3A_173 = arith.addi %iota3A, %add3A_172 : vector<16xi32>
          %select_n3A_174 = arith.select %gt3A_169, %add3A_173, %select_n3A_165 : vector<16xi1>, vector<16xi32>
          %get3A_175 = arith.index_cast %rem3A_25 : i32 to index
          %get3A_176 = arith.constant 192 : index
          %get3A_177 = tpu.vector_load %arg6[%get3A_175, %get3A_176] {strides = array<i32>} : memref<2x256xf32, #tpu.memory_space<vmem>>, vector<16xf32>,
          %gt3A_178 = arith.cmpf ogt, %get3A_177, %select_n3A_170 : vector<16xf32>
          %select_n3A_179 = arith.select %gt3A_178, %get3A_177, %select_n3A_170 : vector<16xi1>, vector<16xf32>
          %add3A_180 = arith.constant 192 : i32
          %add3A_181 = vector.broadcast %add3A_180 : i32 to vector<16xi32>
          %add3A_182 = arith.addi %iota3A, %add3A_181 : vector<16xi32>
          %select_n3A_183 = arith.select %gt3A_178, %add3A_182, %select_n3A_174 : vector<16xi1>, vector<16xi32>
          %get3A_184 = arith.index_cast %rem3A_25 : i32 to index
          %get3A_185 = arith.constant 208 : index
          %get3A_186 = tpu.vector_load %arg6[%get3A_184, %get3A_185] {strides = array<i32>} : memref<2x256xf32, #tpu.memory_space<vmem>>, vector<16xf32>,
          %gt3A_187 = arith.cmpf ogt, %get3A_186, %select_n3A_179 : vector<16xf32>
          %select_n3A_188 = arith.select %gt3A_187, %get3A_186, %select_n3A_179 : vector<16xi1>, vector<16xf32>
          %add3A_189 = arith.constant 208 : i32
          %add3A_190 = vector.broadcast %add3A_189 : i32 to vector<16xi32>
          %add3A_191 = arith.addi %iota3A, %add3A_190 : vector<16xi32>
          %select_n3A_192 = arith.select %gt3A_187, %add3A_191, %select_n3A_183 : vector<16xi1>, vector<16xi32>
          %get3A_193 = arith.index_cast %rem3A_25 : i32 to index
          %get3A_194 = arith.constant 224 : index
          %get3A_195 = tpu.vector_load %arg6[%get3A_193, %get3A_194] {strides = array<i32>} : memref<2x256xf32, #tpu.memory_space<vmem>>, vector<16xf32>,
          %gt3A_196 = arith.cmpf ogt, %get3A_195, %select_n3A_188 : vector<16xf32>
          %select_n3A_197 = arith.select %gt3A_196, %get3A_195, %select_n3A_188 : vector<16xi1>, vector<16xf32>
          %add3A_198 = arith.constant 224 : i32
          %add3A_199 = vector.broadcast %add3A_198 : i32 to vector<16xi32>
          %add3A_200 = arith.addi %iota3A, %add3A_199 : vector<16xi32>
          %select_n3A_201 = arith.select %gt3A_196, %add3A_200, %select_n3A_192 : vector<16xi1>, vector<16xi32>
          %get3A_202 = arith.index_cast %rem3A_25 : i32 to index
          %get3A_203 = arith.constant 240 : index
          %get3A_204 = tpu.vector_load %arg6[%get3A_202, %get3A_203] {strides = array<i32>} : memref<2x256xf32, #tpu.memory_space<vmem>>, vector<16xf32>,
          %gt3A_205 = arith.cmpf ogt, %get3A_204, %select_n3A_197 : vector<16xf32>
          %select_n3A_206 = arith.select %gt3A_205, %get3A_204, %select_n3A_197 : vector<16xi1>, vector<16xf32>
          %add3A_207 = arith.constant 240 : i32
          %add3A_208 = vector.broadcast %add3A_207 : i32 to vector<16xi32>
          %add3A_209 = arith.addi %iota3A, %add3A_208 : vector<16xi32>
          %select_n3A_210 = arith.select %gt3A_205, %add3A_209, %select_n3A_201 : vector<16xi1>, vector<16xi32>
          %reduce_max3A = arith.constant true
          %reduce_max3A_211 = vector.broadcast %reduce_max3A : i1 to vector<16xi1>
          %reduce_max3A_212 = tpu.scan <max>, %select_n3A_206 masked %reduce_max3A_211 : vector<16xf32>, vector<16xi1> -> vector<16xf32>
          %reduce_max3A_213 = vector.extract %reduce_max3A_212[15] : f32 from vector<16xf32>
          %eq3A_214 = vector.broadcast %reduce_max3A_213 : f32 to vector<16xf32>
          %eq3A_215 = arith.cmpf oeq, %select_n3A_206, %eq3A_214 : vector<16xf32>
          %jit3A = arith.constant 1073741824 : i32
          %broadcast_in_dim3A = vector.broadcast %jit3A : i32 to vector<16xi32>
          %select_n3A_216 = arith.select %eq3A_215, %select_n3A_210, %broadcast_in_dim3A : vector<16xi1>, vector<16xi32>
          %reduce_min3A = arith.constant true
          %reduce_min3A_217 = vector.broadcast %reduce_min3A : i1 to vector<16xi1>
          %reduce_min3A_218 = arith.constant -2147483648 : i32
          %reduce_min3A_219 = vector.broadcast %reduce_min3A_218 : i32 to vector<16xi32>
          %reduce_min3A_220 = arith.xori %select_n3A_216, %reduce_min3A_219 : vector<16xi32>
          %reduce_min3A_221 = tpu.scan <min>, %reduce_min3A_220 masked %reduce_min3A_217 : vector<16xi32>, vector<16xi1> -> vector<16xi32>
          %reduce_min3A_222 = arith.xori %reduce_min3A_221, %reduce_min3A_219 : vector<16xi32>
          %reduce_min3A_223 = vector.extract %reduce_min3A_222[15] : i32 from vector<16xi32>
          %broadcast_in_dim3A_224 = vector.broadcast %rem3A_25 : i32 to vector<16xi32>
          %broadcast_in_dim3A_225 = vector.broadcast %scan3A_73 : i32 to vector<16xi32>
          %broadcast_in_dim3A_226 = vector.broadcast %reduce_min3A_223 : i32 to vector<16xi32>
          tpu.vector_store_idx %arg7[%broadcast_in_dim3A_224, %broadcast_in_dim3A_225], %broadcast_in_dim3A_226 masked %eq3A_4 : memref<2x32xi32, #tpu.memory_space<vmem>>[vector<16xi32>, vector<16xi32>], vector<16xi32>, vector<16xi1>
          %broadcast_in_dim3A_227 = vector.broadcast %rem3A_25 : i32 to vector<16xi32>
          %broadcast_in_dim3A_228 = vector.broadcast %scan3A_73 : i32 to vector<16xi32>
          %broadcast_in_dim3A_229 = vector.broadcast %reduce_max3A_213 : f32 to vector<16xf32>
          tpu.vector_store_idx %arg8[%broadcast_in_dim3A_227, %broadcast_in_dim3A_228], %broadcast_in_dim3A_229 masked %eq3A_4 : memref<2x32xf32, #tpu.memory_space<vmem>>[vector<16xi32>, vector<16xi32>], vector<16xf32>, vector<16xi1>
          %broadcast_in_dim3A_230 = vector.broadcast %rem3A_25 : i32 to vector<16xi32>
          %broadcast_in_dim3A_231 = vector.broadcast %reduce_min3A_223 : i32 to vector<16xi32>
          %broadcast_in_dim3A_232 = arith.constant -3.000000e+38 : f32
          %broadcast_in_dim3A_233 = vector.broadcast %broadcast_in_dim3A_232 : f32 to vector<16xf32>
          tpu.vector_store_idx %arg6[%broadcast_in_dim3A_230, %broadcast_in_dim3A_231], %broadcast_in_dim3A_233 masked %eq3A_4 : memref<2x256xf32, #tpu.memory_space<vmem>>[vector<16xi32>, vector<16xi32>], vector<16xf32>, vector<16xi1>
          %scan3A_234 = arith.constant 0 : i32
          scf.yield %scan3A_234 : i32
        }
        %scan3A_72 = arith.constant 32 : i32
      } else {
      }
      %gt3A = arith.constant 0 : i32
      %gt3A_32 = arith.cmpi sgt, %scan3A_23, %gt3A : i32
      %convert_element_type3A_33 = arith.extui %gt3A_32 : i1 to i32
      %cond3A_34 = arith.constant 0 : i32
      %cond3A_35 = arith.cmpi ne, %convert_element_type3A_33, %cond3A_34 : i32
      scf.if %cond3A_35 {
        %sub3A = arith.constant 1 : i32
        %sub3A_47 = arith.subi %scan3A_23, %sub3A : i32
        %rem3A_48 = arith.constant 2 : i32
        %rem3A_49 = arith.remsi %sub3A_47, %rem3A_48 : i32
        %dma_wait3A = arith.constant 0 : i32
        %dma_wait3A_50 = arith.constant 0 : i32
        %dma_wait3A_51 = tpu.memref_slice %arg9[%rem3A_49, %dma_wait3A, %dma_wait3A_50] : memref<2x32x512xf32, #tpu.memory_space<vmem>> -> memref<1x32x512xf32, #tpu.memory_space<vmem>>
        %dma_wait3A_52 = tpu.memref_squeeze %dma_wait3A_51 : memref<1x32x512xf32, #tpu.memory_space<vmem>> -> memref<32x512xf32, #tpu.memory_space<vmem>>
        %dma_wait3A_53 = arith.constant 0 : i32
        %dma_wait3A_54 = arith.constant 0 : i32
        %dma_wait3A_55 = tpu.memref_slice %arg2[%dma_wait3A_53, %dma_wait3A_54] : memref<200704x512xf32, #tpu.memory_space<hbm>> -> memref<32x512xf32, #tpu.memory_space<hbm>>
        %dma_wait3A_56 = arith.constant 0 : i32
        %dma_wait3A_57 = arith.constant 0 : i32
        %dma_wait3A_58 = tpu.memref_slice %arg9[%rem3A_49, %dma_wait3A_56, %dma_wait3A_57] : memref<2x32x512xf32, #tpu.memory_space<vmem>> -> memref<1x32x512xf32, #tpu.memory_space<vmem>>
        %dma_wait3A_59 = tpu.memref_squeeze %dma_wait3A_58 : memref<1x32x512xf32, #tpu.memory_space<vmem>> -> memref<32x512xf32, #tpu.memory_space<vmem>>
        %dma_wait3A_60 = arith.constant 0 : i32
        %dma_wait3A_61 = arith.constant 0 : i32
        %dma_wait3A_62 = tpu.memref_slice %arg2[%dma_wait3A_60, %dma_wait3A_61] : memref<200704x512xf32, #tpu.memory_space<hbm>> -> memref<32x512xf32, #tpu.memory_space<hbm>>
        tpu.wait_dma2 semaphore(%arg12 : memref<!tpu.dma_semaphore, #tpu.memory_space<semaphore_mem>>) src(%dma_wait3A_62 : memref<32x512xf32, #tpu.memory_space<hbm>>) dst(%dma_wait3A_59 : memref<32x512xf32, #tpu.memory_space<vmem>>)
      } else {
      }
      %lt3A_36 = arith.constant 32 : i32
      %lt3A_37 = arith.cmpi slt, %scan3A_23, %lt3A_36 : i32
      %convert_element_type3A_38 = arith.extui %lt3A_37 : i1 to i32
      %cond3A_39 = arith.constant 0 : i32
      %cond3A_40 = arith.cmpi ne, %convert_element_type3A_38, %cond3A_39 : i32
      scf.if %cond3A_40 {
        %add3A_47 = arith.addi %mul3A_2, %scan3A_23 : i32
        %get3A = arith.index_cast %rem3A_25 : i32 to index
        %get3A_48 = arith.constant 0 : index
        %get3A_49 = tpu.vector_load %arg7[%get3A, %get3A_48] {strides = array<i32>} : memref<2x32xi32, #tpu.memory_space<vmem>>, vector<16xi32>,
        %mul3A_50 = arith.constant 1024 : i32
        %mul3A_51 = vector.broadcast %mul3A_50 : i32 to vector<16xi32>
        %mul3A_52 = arith.muli %get3A_49, %mul3A_51 : vector<16xi32>
        %add3A_53 = vector.broadcast %add3A_47 : i32 to vector<16xi32>
        %add3A_54 = arith.addi %mul3A_52, %add3A_53 : vector<16xi32>
        %get3A_55 = arith.index_cast %rem3A_25 : i32 to index
        %get3A_56 = arith.constant 16 : index
        %get3A_57 = tpu.vector_load %arg7[%get3A_55, %get3A_56] {strides = array<i32>} : memref<2x32xi32, #tpu.memory_space<vmem>>, vector<16xi32>,
        %mul3A_58 = arith.constant 1024 : i32
        %mul3A_59 = vector.broadcast %mul3A_58 : i32 to vector<16xi32>
        %mul3A_60 = arith.muli %get3A_57, %mul3A_59 : vector<16xi32>
        %add3A_61 = vector.broadcast %add3A_47 : i32 to vector<16xi32>
        %add3A_62 = arith.addi %mul3A_60, %add3A_61 : vector<16xi32>
        %dma_start3A_63 = arith.constant 0 : i32
        %dma_start3A_64 = arith.constant 0 : i32
        %dma_start3A_65 = tpu.memref_slice %arg9[%rem3A_25, %dma_start3A_63, %dma_start3A_64] : memref<2x32x512xf32, #tpu.memory_space<vmem>> -> memref<1x16x512xf32, #tpu.memory_space<vmem>>
        %dma_start3A_66 = tpu.memref_squeeze %dma_start3A_65 : memref<1x16x512xf32, #tpu.memory_space<vmem>> -> memref<16x512xf32, #tpu.memory_space<vmem>>
        %dma_start3A_67 = arith.constant 0 : i32
        %dma_start3A_68 = arith.constant 0 : i32
        %dma_start3A_69 = tpu.memref_slice %arg2[%dma_start3A_67, %dma_start3A_68] : memref<200704x512xf32, #tpu.memory_space<hbm>> -> memref<200704x512xf32, #tpu.memory_space<hbm>>
        tpu.enqueue_indirect_dma source(%dma_start3A_69 : memref<200704x512xf32, #tpu.memory_space<hbm>>) target(%dma_start3A_66 : memref<16x512xf32, #tpu.memory_space<vmem>>) offsets(%add3A_54 : vector<16xi32>) semaphore(%arg12 : memref<!tpu.dma_semaphore, #tpu.memory_space<semaphore_mem>>)
        %dma_start3A_70 = arith.constant 16 : i32
        %dma_start3A_71 = arith.constant 0 : i32
        %dma_start3A_72 = tpu.memref_slice %arg9[%rem3A_25, %dma_start3A_70, %dma_start3A_71] : memref<2x32x512xf32, #tpu.memory_space<vmem>> -> memref<1x16x512xf32, #tpu.memory_space<vmem>>
        %dma_start3A_73 = tpu.memref_squeeze %dma_start3A_72 : memref<1x16x512xf32, #tpu.memory_space<vmem>> -> memref<16x512xf32, #tpu.memory_space<vmem>>
        %dma_start3A_74 = arith.constant 0 : i32
        %dma_start3A_75 = arith.constant 0 : i32
        %dma_start3A_76 = tpu.memref_slice %arg2[%dma_start3A_74, %dma_start3A_75] : memref<200704x512xf32, #tpu.memory_space<hbm>> -> memref<200704x512xf32, #tpu.memory_space<hbm>>
        tpu.enqueue_indirect_dma source(%dma_start3A_76 : memref<200704x512xf32, #tpu.memory_space<hbm>>) target(%dma_start3A_73 : memref<16x512xf32, #tpu.memory_space<vmem>>) offsets(%add3A_62 : vector<16xi32>) semaphore(%arg12 : memref<!tpu.dma_semaphore, #tpu.memory_space<semaphore_mem>>)
      } else {
      }
      %gt3A_41 = arith.constant 0 : i32
      %gt3A_42 = arith.cmpi sgt, %scan3A_23, %gt3A_41 : i32
      %convert_element_type3A_43 = arith.extui %gt3A_42 : i1 to i32
      %cond3A_44 = arith.constant 0 : i32
      %cond3A_45 = arith.cmpi ne, %convert_element_type3A_43, %cond3A_44 : i32
      scf.if %cond3A_45 {
        %sub3A = arith.constant 1 : i32
        %sub3A_47 = arith.subi %scan3A_23, %sub3A : i32
        %rem3A_48 = arith.constant 2 : i32
        %rem3A_49 = arith.remsi %sub3A_47, %rem3A_48 : i32
        %scan3A_50 = arith.constant 0 : i32
        %scan3A_51 = arith.constant 0 : i32
        %scan3A_52 = arith.constant 25 : i32
        %scan3A_53 = arith.addi %scan3A_51, %scan3A_52 : i32
        %scan3A_54 = arith.constant 1 : i32
        %scan3A_55 = scf.for %scan3A_57 = %scan3A_51 to %scan3A_53 step %scan3A_54 iter_args(%scan3A_58 = %scan3A_50) -> (i32)  : i32 {
          %get3A = arith.index_cast %rem3A_49 : i32 to index
          %get3A_59 = arith.constant 0 : index
          %get3A_60 = tpu.vector_load %arg8[%get3A, %get3A_59] {strides = array<i32>} : memref<2x32xf32, #tpu.memory_space<vmem>>, vector<16xf32>,
          %get3A_61 = arith.index_cast %rem3A_49 : i32 to index
          %get3A_62 = arith.constant 16 : index
          %get3A_63 = tpu.vector_load %arg8[%get3A_61, %get3A_62] {strides = array<i32>} : memref<2x32xf32, #tpu.memory_space<vmem>>, vector<16xf32>,
          %max3A = arith.maximumf %get3A_60, %get3A_63 : vector<16xf32>
          %reduce_max3A = arith.constant true
          %reduce_max3A_64 = vector.broadcast %reduce_max3A : i1 to vector<16xi1>
          %reduce_max3A_65 = tpu.scan <max>, %max3A masked %reduce_max3A_64 : vector<16xf32>, vector<16xi1> -> vector<16xf32>
          %reduce_max3A_66 = vector.extract %reduce_max3A_65[15] : f32 from vector<16xf32>
          %get3A_67 = arith.index_cast %rem3A_49 : i32 to index
          %get3A_68 = arith.constant 0 : index
          %get3A_69 = tpu.vector_load %arg7[%get3A_67, %get3A_68] {strides = array<i32>} : memref<2x32xi32, #tpu.memory_space<vmem>>, vector<16xi32>,
          %get3A_70 = arith.index_cast %rem3A_49 : i32 to index
          %get3A_71 = arith.constant 16 : index
          %get3A_72 = tpu.vector_load %arg7[%get3A_70, %get3A_71] {strides = array<i32>} : memref<2x32xi32, #tpu.memory_space<vmem>>, vector<16xi32>,
          %eq3A_73 = vector.broadcast %reduce_max3A_66 : f32 to vector<16xf32>
          %eq3A_74 = arith.cmpf oeq, %get3A_60, %eq3A_73 : vector<16xf32>
          %eq3A_75 = vector.broadcast %reduce_max3A_66 : f32 to vector<16xf32>
          %eq3A_76 = arith.cmpf oeq, %get3A_63, %eq3A_75 : vector<16xf32>
          %jit3A = arith.constant 1073741824 : i32
          %broadcast_in_dim3A = vector.broadcast %jit3A : i32 to vector<16xi32>
          %select_n3A = arith.select %eq3A_74, %get3A_69, %broadcast_in_dim3A : vector<16xi1>, vector<16xi32>
          %jit3A_77 = arith.constant 1073741824 : i32
          %broadcast_in_dim3A_78 = vector.broadcast %jit3A_77 : i32 to vector<16xi32>
          %select_n3A_79 = arith.select %eq3A_76, %get3A_72, %broadcast_in_dim3A_78 : vector<16xi1>, vector<16xi32>
          %min3A = arith.minsi %select_n3A, %select_n3A_79 : vector<16xi32>
          %reduce_min3A = arith.constant true
          %reduce_min3A_80 = vector.broadcast %reduce_min3A : i1 to vector<16xi1>
          %reduce_min3A_81 = arith.constant -2147483648 : i32
          %reduce_min3A_82 = vector.broadcast %reduce_min3A_81 : i32 to vector<16xi32>
          %reduce_min3A_83 = arith.xori %min3A, %reduce_min3A_82 : vector<16xi32>
          %reduce_min3A_84 = tpu.scan <min>, %reduce_min3A_83 masked %reduce_min3A_80 : vector<16xi32>, vector<16xi1> -> vector<16xi32>
          %reduce_min3A_85 = arith.xori %reduce_min3A_84, %reduce_min3A_82 : vector<16xi32>
          %reduce_min3A_86 = vector.extract %reduce_min3A_85[15] : i32 from vector<16xi32>
          %eq3A_87 = vector.broadcast %reduce_min3A_86 : i32 to vector<16xi32>
          %eq3A_88 = arith.cmpi eq, %get3A_69, %eq3A_87 : vector<16xi32>
          %and3A = arith.andi %eq3A_74, %eq3A_88 : vector<16xi1>
          %jit3A_89 = arith.constant 1073741824 : i32
          %broadcast_in_dim3A_90 = vector.broadcast %jit3A_89 : i32 to vector<16xi32>
          %select_n3A_91 = arith.select %and3A, %iota3A, %broadcast_in_dim3A_90 : vector<16xi1>, vector<16xi32>
          %eq3A_92 = vector.broadcast %reduce_min3A_86 : i32 to vector<16xi32>
          %eq3A_93 = arith.cmpi eq, %get3A_72, %eq3A_92 : vector<16xi32>
          %and3A_94 = arith.andi %eq3A_76, %eq3A_93 : vector<16xi1>
          %add3A_95 = arith.constant 16 : i32
          %add3A_96 = vector.broadcast %add3A_95 : i32 to vector<16xi32>
          %add3A_97 = arith.addi %iota3A, %add3A_96 : vector<16xi32>
          %jit3A_98 = arith.constant 1073741824 : i32
          %broadcast_in_dim3A_99 = vector.broadcast %jit3A_98 : i32 to vector<16xi32>
          %select_n3A_100 = arith.select %and3A_94, %add3A_97, %broadcast_in_dim3A_99 : vector<16xi1>, vector<16xi32>
          %min3A_101 = arith.minsi %select_n3A_91, %select_n3A_100 : vector<16xi32>
          %reduce_min3A_102 = arith.constant true
          %reduce_min3A_103 = vector.broadcast %reduce_min3A_102 : i1 to vector<16xi1>
          %reduce_min3A_104 = arith.constant -2147483648 : i32
          %reduce_min3A_105 = vector.broadcast %reduce_min3A_104 : i32 to vector<16xi32>
          %reduce_min3A_106 = arith.xori %min3A_101, %reduce_min3A_105 : vector<16xi32>
          %reduce_min3A_107 = tpu.scan <min>, %reduce_min3A_106 masked %reduce_min3A_103 : vector<16xi32>, vector<16xi1> -> vector<16xi32>
          %reduce_min3A_108 = arith.xori %reduce_min3A_107, %reduce_min3A_105 : vector<16xi32>
          %reduce_min3A_109 = vector.extract %reduce_min3A_108[15] : i32 from vector<16xi32>
          %broadcast_in_dim3A_110 = arith.constant 1073741824 : i32
          %broadcast_in_dim3A_111 = vector.broadcast %broadcast_in_dim3A_110 : i32 to vector<16xi32>
          %broadcast_in_dim3A_112 = arith.constant 0 : i32
          %broadcast_in_dim3A_113 = vector.broadcast %broadcast_in_dim3A_112 : i32 to vector<16xi32>
          %broadcast_in_dim3A_114 = arith.constant -3.000000e+38 : f32
          %broadcast_in_dim3A_115 = vector.broadcast %broadcast_in_dim3A_114 : f32 to vector<16xf32>
          %get3A_116 = arith.index_cast %rem3A_49 : i32 to index
          %get3A_117 = arith.index_cast %reduce_min3A_109 : i32 to index
          %get3A_118 = arith.constant 0 : index
          %get3A_119 = tpu.vector_load %arg9[%get3A_116, %get3A_117, %get3A_118] {strides = array<i32>} : memref<2x32x512xf32, #tpu.memory_space<vmem>>, vector<16xf32>,
          %eq3A_120 = vector.broadcast %reduce_max3A_66 : f32 to vector<16xf32>
          %eq3A_121 = arith.cmpf oeq, %get3A_119, %eq3A_120 : vector<16xf32>
          %add3A_122 = arith.constant 0 : i32
          %add3A_123 = vector.broadcast %add3A_122 : i32 to vector<16xi32>
          %add3A_124 = arith.addi %iota3A, %add3A_123 : vector<16xi32>
          %jit3A_125 = arith.constant 1073741824 : i32
          %broadcast_in_dim3A_126 = vector.broadcast %jit3A_125 : i32 to vector<16xi32>
          %select_n3A_127 = arith.select %eq3A_121, %add3A_124, %broadcast_in_dim3A_126 : vector<16xi1>, vector<16xi32>
          %min3A_128 = arith.minsi %broadcast_in_dim3A_111, %select_n3A_127 : vector<16xi32>
          %jit3A_129 = arith.constant 1 : i32
          %jit3A_130 = arith.constant 0 : i32
          %broadcast_in_dim3A_131 = vector.broadcast %jit3A_129 : i32 to vector<16xi32>
          %broadcast_in_dim3A_132 = vector.broadcast %jit3A_130 : i32 to vector<16xi32>
          %select_n3A_133 = arith.select %eq3A_121, %broadcast_in_dim3A_131, %broadcast_in_dim3A_132 : vector<16xi1>, vector<16xi32>
          %add3A_134 = arith.addi %broadcast_in_dim3A_113, %select_n3A_133 : vector<16xi32>
          %jit3A_135 = arith.constant -3.000000e+38 : f32
          %broadcast_in_dim3A_136 = vector.broadcast %jit3A_135 : f32 to vector<16xf32>
          %select_n3A_137 = arith.select %eq3A_121, %broadcast_in_dim3A_136, %get3A_119 : vector<16xi1>, vector<16xf32>
          %max3A_138 = arith.maximumf %broadcast_in_dim3A_115, %select_n3A_137 : vector<16xf32>
          %get3A_139 = arith.index_cast %rem3A_49 : i32 to index
          %get3A_140 = arith.index_cast %reduce_min3A_109 : i32 to index
          %get3A_141 = arith.constant 16 : index
          %get3A_142 = tpu.vector_load %arg9[%get3A_139, %get3A_140, %get3A_141] {strides = array<i32>} : memref<2x32x512xf32, #tpu.memory_space<vmem>>, vector<16xf32>,
          %eq3A_143 = vector.broadcast %reduce_max3A_66 : f32 to vector<16xf32>
          %eq3A_144 = arith.cmpf oeq, %get3A_142, %eq3A_143 : vector<16xf32>
          %add3A_145 = arith.constant 16 : i32
          %add3A_146 = vector.broadcast %add3A_145 : i32 to vector<16xi32>
          %add3A_147 = arith.addi %iota3A, %add3A_146 : vector<16xi32>
          %jit3A_148 = arith.constant 1073741824 : i32
          %broadcast_in_dim3A_149 = vector.broadcast %jit3A_148 : i32 to vector<16xi32>
          %select_n3A_150 = arith.select %eq3A_144, %add3A_147, %broadcast_in_dim3A_149 : vector<16xi1>, vector<16xi32>
          %min3A_151 = arith.minsi %min3A_128, %select_n3A_150 : vector<16xi32>
          %jit3A_152 = arith.constant 1 : i32
          %jit3A_153 = arith.constant 0 : i32
          %broadcast_in_dim3A_154 = vector.broadcast %jit3A_152 : i32 to vector<16xi32>
          %broadcast_in_dim3A_155 = vector.broadcast %jit3A_153 : i32 to vector<16xi32>
          %select_n3A_156 = arith.select %eq3A_144, %broadcast_in_dim3A_154, %broadcast_in_dim3A_155 : vector<16xi1>, vector<16xi32>
          %add3A_157 = arith.addi %add3A_134, %select_n3A_156 : vector<16xi32>
          %jit3A_158 = arith.constant -3.000000e+38 : f32
          %broadcast_in_dim3A_159 = vector.broadcast %jit3A_158 : f32 to vector<16xf32>
          %select_n3A_160 = arith.select %eq3A_144, %broadcast_in_dim3A_159, %get3A_142 : vector<16xi1>, vector<16xf32>
          %max3A_161 = arith.maximumf %max3A_138, %select_n3A_160 : vector<16xf32>
          %get3A_162 = arith.index_cast %rem3A_49 : i32 to index
          %get3A_163 = arith.index_cast %reduce_min3A_109 : i32 to index
          %get3A_164 = arith.constant 32 : index
          %get3A_165 = tpu.vector_load %arg9[%get3A_162, %get3A_163, %get3A_164] {strides = array<i32>} : memref<2x32x512xf32, #tpu.memory_space<vmem>>, vector<16xf32>,
          %eq3A_166 = vector.broadcast %reduce_max3A_66 : f32 to vector<16xf32>
          %eq3A_167 = arith.cmpf oeq, %get3A_165, %eq3A_166 : vector<16xf32>
          %add3A_168 = arith.constant 32 : i32
          %add3A_169 = vector.broadcast %add3A_168 : i32 to vector<16xi32>
          %add3A_170 = arith.addi %iota3A, %add3A_169 : vector<16xi32>
          %jit3A_171 = arith.constant 1073741824 : i32
          %broadcast_in_dim3A_172 = vector.broadcast %jit3A_171 : i32 to vector<16xi32>
          %select_n3A_173 = arith.select %eq3A_167, %add3A_170, %broadcast_in_dim3A_172 : vector<16xi1>, vector<16xi32>
          %min3A_174 = arith.minsi %min3A_151, %select_n3A_173 : vector<16xi32>
          %jit3A_175 = arith.constant 1 : i32
          %jit3A_176 = arith.constant 0 : i32
          %broadcast_in_dim3A_177 = vector.broadcast %jit3A_175 : i32 to vector<16xi32>
          %broadcast_in_dim3A_178 = vector.broadcast %jit3A_176 : i32 to vector<16xi32>
          %select_n3A_179 = arith.select %eq3A_167, %broadcast_in_dim3A_177, %broadcast_in_dim3A_178 : vector<16xi1>, vector<16xi32>
          %add3A_180 = arith.addi %add3A_157, %select_n3A_179 : vector<16xi32>
          %jit3A_181 = arith.constant -3.000000e+38 : f32
          %broadcast_in_dim3A_182 = vector.broadcast %jit3A_181 : f32 to vector<16xf32>
          %select_n3A_183 = arith.select %eq3A_167, %broadcast_in_dim3A_182, %get3A_165 : vector<16xi1>, vector<16xf32>
          %max3A_184 = arith.maximumf %max3A_161, %select_n3A_183 : vector<16xf32>
          %get3A_185 = arith.index_cast %rem3A_49 : i32 to index
          %get3A_186 = arith.index_cast %reduce_min3A_109 : i32 to index
          %get3A_187 = arith.constant 48 : index
          %get3A_188 = tpu.vector_load %arg9[%get3A_185, %get3A_186, %get3A_187] {strides = array<i32>} : memref<2x32x512xf32, #tpu.memory_space<vmem>>, vector<16xf32>,
          %eq3A_189 = vector.broadcast %reduce_max3A_66 : f32 to vector<16xf32>
          %eq3A_190 = arith.cmpf oeq, %get3A_188, %eq3A_189 : vector<16xf32>
          %add3A_191 = arith.constant 48 : i32
          %add3A_192 = vector.broadcast %add3A_191 : i32 to vector<16xi32>
          %add3A_193 = arith.addi %iota3A, %add3A_192 : vector<16xi32>
          %jit3A_194 = arith.constant 1073741824 : i32
          %broadcast_in_dim3A_195 = vector.broadcast %jit3A_194 : i32 to vector<16xi32>
          %select_n3A_196 = arith.select %eq3A_190, %add3A_193, %broadcast_in_dim3A_195 : vector<16xi1>, vector<16xi32>
          %min3A_197 = arith.minsi %min3A_174, %select_n3A_196 : vector<16xi32>
          %jit3A_198 = arith.constant 1 : i32
          %jit3A_199 = arith.constant 0 : i32
          %broadcast_in_dim3A_200 = vector.broadcast %jit3A_198 : i32 to vector<16xi32>
          %broadcast_in_dim3A_201 = vector.broadcast %jit3A_199 : i32 to vector<16xi32>
          %select_n3A_202 = arith.select %eq3A_190, %broadcast_in_dim3A_200, %broadcast_in_dim3A_201 : vector<16xi1>, vector<16xi32>
          %add3A_203 = arith.addi %add3A_180, %select_n3A_202 : vector<16xi32>
          %jit3A_204 = arith.constant -3.000000e+38 : f32
          %broadcast_in_dim3A_205 = vector.broadcast %jit3A_204 : f32 to vector<16xf32>
          %select_n3A_206 = arith.select %eq3A_190, %broadcast_in_dim3A_205, %get3A_188 : vector<16xi1>, vector<16xf32>
          %max3A_207 = arith.maximumf %max3A_184, %select_n3A_206 : vector<16xf32>
          %get3A_208 = arith.index_cast %rem3A_49 : i32 to index
          %get3A_209 = arith.index_cast %reduce_min3A_109 : i32 to index
          %get3A_210 = arith.constant 64 : index
          %get3A_211 = tpu.vector_load %arg9[%get3A_208, %get3A_209, %get3A_210] {strides = array<i32>} : memref<2x32x512xf32, #tpu.memory_space<vmem>>, vector<16xf32>,
          %eq3A_212 = vector.broadcast %reduce_max3A_66 : f32 to vector<16xf32>
          %eq3A_213 = arith.cmpf oeq, %get3A_211, %eq3A_212 : vector<16xf32>
          %add3A_214 = arith.constant 64 : i32
          %add3A_215 = vector.broadcast %add3A_214 : i32 to vector<16xi32>
          %add3A_216 = arith.addi %iota3A, %add3A_215 : vector<16xi32>
          %jit3A_217 = arith.constant 1073741824 : i32
          %broadcast_in_dim3A_218 = vector.broadcast %jit3A_217 : i32 to vector<16xi32>
          %select_n3A_219 = arith.select %eq3A_213, %add3A_216, %broadcast_in_dim3A_218 : vector<16xi1>, vector<16xi32>
          %min3A_220 = arith.minsi %min3A_197, %select_n3A_219 : vector<16xi32>
          %jit3A_221 = arith.constant 1 : i32
          %jit3A_222 = arith.constant 0 : i32
          %broadcast_in_dim3A_223 = vector.broadcast %jit3A_221 : i32 to vector<16xi32>
          %broadcast_in_dim3A_224 = vector.broadcast %jit3A_222 : i32 to vector<16xi32>
          %select_n3A_225 = arith.select %eq3A_213, %broadcast_in_dim3A_223, %broadcast_in_dim3A_224 : vector<16xi1>, vector<16xi32>
          %add3A_226 = arith.addi %add3A_203, %select_n3A_225 : vector<16xi32>
          %jit3A_227 = arith.constant -3.000000e+38 : f32
          %broadcast_in_dim3A_228 = vector.broadcast %jit3A_227 : f32 to vector<16xf32>
          %select_n3A_229 = arith.select %eq3A_213, %broadcast_in_dim3A_228, %get3A_211 : vector<16xi1>, vector<16xf32>
          %max3A_230 = arith.maximumf %max3A_207, %select_n3A_229 : vector<16xf32>
          %get3A_231 = arith.index_cast %rem3A_49 : i32 to index
          %get3A_232 = arith.index_cast %reduce_min3A_109 : i32 to index
          %get3A_233 = arith.constant 80 : index
          %get3A_234 = tpu.vector_load %arg9[%get3A_231, %get3A_232, %get3A_233] {strides = array<i32>} : memref<2x32x512xf32, #tpu.memory_space<vmem>>, vector<16xf32>,
          %eq3A_235 = vector.broadcast %reduce_max3A_66 : f32 to vector<16xf32>
          %eq3A_236 = arith.cmpf oeq, %get3A_234, %eq3A_235 : vector<16xf32>
          %add3A_237 = arith.constant 80 : i32
          %add3A_238 = vector.broadcast %add3A_237 : i32 to vector<16xi32>
          %add3A_239 = arith.addi %iota3A, %add3A_238 : vector<16xi32>
          %jit3A_240 = arith.constant 1073741824 : i32
          %broadcast_in_dim3A_241 = vector.broadcast %jit3A_240 : i32 to vector<16xi32>
          %select_n3A_242 = arith.select %eq3A_236, %add3A_239, %broadcast_in_dim3A_241 : vector<16xi1>, vector<16xi32>
          %min3A_243 = arith.minsi %min3A_220, %select_n3A_242 : vector<16xi32>
          %jit3A_244 = arith.constant 1 : i32
          %jit3A_245 = arith.constant 0 : i32
          %broadcast_in_dim3A_246 = vector.broadcast %jit3A_244 : i32 to vector<16xi32>
          %broadcast_in_dim3A_247 = vector.broadcast %jit3A_245 : i32 to vector<16xi32>
          %select_n3A_248 = arith.select %eq3A_236, %broadcast_in_dim3A_246, %broadcast_in_dim3A_247 : vector<16xi1>, vector<16xi32>
          %add3A_249 = arith.addi %add3A_226, %select_n3A_248 : vector<16xi32>
          %jit3A_250 = arith.constant -3.000000e+38 : f32
          %broadcast_in_dim3A_251 = vector.broadcast %jit3A_250 : f32 to vector<16xf32>
          %select_n3A_252 = arith.select %eq3A_236, %broadcast_in_dim3A_251, %get3A_234 : vector<16xi1>, vector<16xf32>
          %max3A_253 = arith.maximumf %max3A_230, %select_n3A_252 : vector<16xf32>
          %get3A_254 = arith.index_cast %rem3A_49 : i32 to index
          %get3A_255 = arith.index_cast %reduce_min3A_109 : i32 to index
          %get3A_256 = arith.constant 96 : index
          %get3A_257 = tpu.vector_load %arg9[%get3A_254, %get3A_255, %get3A_256] {strides = array<i32>} : memref<2x32x512xf32, #tpu.memory_space<vmem>>, vector<16xf32>,
          %eq3A_258 = vector.broadcast %reduce_max3A_66 : f32 to vector<16xf32>
          %eq3A_259 = arith.cmpf oeq, %get3A_257, %eq3A_258 : vector<16xf32>
          %add3A_260 = arith.constant 96 : i32
          %add3A_261 = vector.broadcast %add3A_260 : i32 to vector<16xi32>
          %add3A_262 = arith.addi %iota3A, %add3A_261 : vector<16xi32>
          %jit3A_263 = arith.constant 1073741824 : i32
          %broadcast_in_dim3A_264 = vector.broadcast %jit3A_263 : i32 to vector<16xi32>
          %select_n3A_265 = arith.select %eq3A_259, %add3A_262, %broadcast_in_dim3A_264 : vector<16xi1>, vector<16xi32>
          %min3A_266 = arith.minsi %min3A_243, %select_n3A_265 : vector<16xi32>
          %jit3A_267 = arith.constant 1 : i32
          %jit3A_268 = arith.constant 0 : i32
          %broadcast_in_dim3A_269 = vector.broadcast %jit3A_267 : i32 to vector<16xi32>
          %broadcast_in_dim3A_270 = vector.broadcast %jit3A_268 : i32 to vector<16xi32>
          %select_n3A_271 = arith.select %eq3A_259, %broadcast_in_dim3A_269, %broadcast_in_dim3A_270 : vector<16xi1>, vector<16xi32>
          %add3A_272 = arith.addi %add3A_249, %select_n3A_271 : vector<16xi32>
          %jit3A_273 = arith.constant -3.000000e+38 : f32
          %broadcast_in_dim3A_274 = vector.broadcast %jit3A_273 : f32 to vector<16xf32>
          %select_n3A_275 = arith.select %eq3A_259, %broadcast_in_dim3A_274, %get3A_257 : vector<16xi1>, vector<16xf32>
          %max3A_276 = arith.maximumf %max3A_253, %select_n3A_275 : vector<16xf32>
          %get3A_277 = arith.index_cast %rem3A_49 : i32 to index
          %get3A_278 = arith.index_cast %reduce_min3A_109 : i32 to index
          %get3A_279 = arith.constant 112 : index
          %get3A_280 = tpu.vector_load %arg9[%get3A_277, %get3A_278, %get3A_279] {strides = array<i32>} : memref<2x32x512xf32, #tpu.memory_space<vmem>>, vector<16xf32>,
          %eq3A_281 = vector.broadcast %reduce_max3A_66 : f32 to vector<16xf32>
          %eq3A_282 = arith.cmpf oeq, %get3A_280, %eq3A_281 : vector<16xf32>
          %add3A_283 = arith.constant 112 : i32
          %add3A_284 = vector.broadcast %add3A_283 : i32 to vector<16xi32>
          %add3A_285 = arith.addi %iota3A, %add3A_284 : vector<16xi32>
          %jit3A_286 = arith.constant 1073741824 : i32
          %broadcast_in_dim3A_287 = vector.broadcast %jit3A_286 : i32 to vector<16xi32>
          %select_n3A_288 = arith.select %eq3A_282, %add3A_285, %broadcast_in_dim3A_287 : vector<16xi1>, vector<16xi32>
          %min3A_289 = arith.minsi %min3A_266, %select_n3A_288 : vector<16xi32>
          %jit3A_290 = arith.constant 1 : i32
          %jit3A_291 = arith.constant 0 : i32
          %broadcast_in_dim3A_292 = vector.broadcast %jit3A_290 : i32 to vector<16xi32>
          %broadcast_in_dim3A_293 = vector.broadcast %jit3A_291 : i32 to vector<16xi32>
          %select_n3A_294 = arith.select %eq3A_282, %broadcast_in_dim3A_292, %broadcast_in_dim3A_293 : vector<16xi1>, vector<16xi32>
          %add3A_295 = arith.addi %add3A_272, %select_n3A_294 : vector<16xi32>
          %jit3A_296 = arith.constant -3.000000e+38 : f32
          %broadcast_in_dim3A_297 = vector.broadcast %jit3A_296 : f32 to vector<16xf32>
          %select_n3A_298 = arith.select %eq3A_282, %broadcast_in_dim3A_297, %get3A_280 : vector<16xi1>, vector<16xf32>
          %max3A_299 = arith.maximumf %max3A_276, %select_n3A_298 : vector<16xf32>
          %get3A_300 = arith.index_cast %rem3A_49 : i32 to index
          %get3A_301 = arith.index_cast %reduce_min3A_109 : i32 to index
          %get3A_302 = arith.constant 128 : index
          %get3A_303 = tpu.vector_load %arg9[%get3A_300, %get3A_301, %get3A_302] {strides = array<i32>} : memref<2x32x512xf32, #tpu.memory_space<vmem>>, vector<16xf32>,
          %eq3A_304 = vector.broadcast %reduce_max3A_66 : f32 to vector<16xf32>
          %eq3A_305 = arith.cmpf oeq, %get3A_303, %eq3A_304 : vector<16xf32>
          %add3A_306 = arith.constant 128 : i32
          %add3A_307 = vector.broadcast %add3A_306 : i32 to vector<16xi32>
          %add3A_308 = arith.addi %iota3A, %add3A_307 : vector<16xi32>
          %jit3A_309 = arith.constant 1073741824 : i32
          %broadcast_in_dim3A_310 = vector.broadcast %jit3A_309 : i32 to vector<16xi32>
          %select_n3A_311 = arith.select %eq3A_305, %add3A_308, %broadcast_in_dim3A_310 : vector<16xi1>, vector<16xi32>
          %min3A_312 = arith.minsi %min3A_289, %select_n3A_311 : vector<16xi32>
          %jit3A_313 = arith.constant 1 : i32
          %jit3A_314 = arith.constant 0 : i32
          %broadcast_in_dim3A_315 = vector.broadcast %jit3A_313 : i32 to vector<16xi32>
          %broadcast_in_dim3A_316 = vector.broadcast %jit3A_314 : i32 to vector<16xi32>
          %select_n3A_317 = arith.select %eq3A_305, %broadcast_in_dim3A_315, %broadcast_in_dim3A_316 : vector<16xi1>, vector<16xi32>
          %add3A_318 = arith.addi %add3A_295, %select_n3A_317 : vector<16xi32>
          %jit3A_319 = arith.constant -3.000000e+38 : f32
          %broadcast_in_dim3A_320 = vector.broadcast %jit3A_319 : f32 to vector<16xf32>
          %select_n3A_321 = arith.select %eq3A_305, %broadcast_in_dim3A_320, %get3A_303 : vector<16xi1>, vector<16xf32>
          %max3A_322 = arith.maximumf %max3A_299, %select_n3A_321 : vector<16xf32>
          %get3A_323 = arith.index_cast %rem3A_49 : i32 to index
          %get3A_324 = arith.index_cast %reduce_min3A_109 : i32 to index
          %get3A_325 = arith.constant 144 : index
          %get3A_326 = tpu.vector_load %arg9[%get3A_323, %get3A_324, %get3A_325] {strides = array<i32>} : memref<2x32x512xf32, #tpu.memory_space<vmem>>, vector<16xf32>,
          %eq3A_327 = vector.broadcast %reduce_max3A_66 : f32 to vector<16xf32>
          %eq3A_328 = arith.cmpf oeq, %get3A_326, %eq3A_327 : vector<16xf32>
          %add3A_329 = arith.constant 144 : i32
          %add3A_330 = vector.broadcast %add3A_329 : i32 to vector<16xi32>
          %add3A_331 = arith.addi %iota3A, %add3A_330 : vector<16xi32>
          %jit3A_332 = arith.constant 1073741824 : i32
          %broadcast_in_dim3A_333 = vector.broadcast %jit3A_332 : i32 to vector<16xi32>
          %select_n3A_334 = arith.select %eq3A_328, %add3A_331, %broadcast_in_dim3A_333 : vector<16xi1>, vector<16xi32>
          %min3A_335 = arith.minsi %min3A_312, %select_n3A_334 : vector<16xi32>
          %jit3A_336 = arith.constant 1 : i32
          %jit3A_337 = arith.constant 0 : i32
          %broadcast_in_dim3A_338 = vector.broadcast %jit3A_336 : i32 to vector<16xi32>
          %broadcast_in_dim3A_339 = vector.broadcast %jit3A_337 : i32 to vector<16xi32>
          %select_n3A_340 = arith.select %eq3A_328, %broadcast_in_dim3A_338, %broadcast_in_dim3A_339 : vector<16xi1>, vector<16xi32>
          %add3A_341 = arith.addi %add3A_318, %select_n3A_340 : vector<16xi32>
          %jit3A_342 = arith.constant -3.000000e+38 : f32
          %broadcast_in_dim3A_343 = vector.broadcast %jit3A_342 : f32 to vector<16xf32>
          %select_n3A_344 = arith.select %eq3A_328, %broadcast_in_dim3A_343, %get3A_326 : vector<16xi1>, vector<16xf32>
          %max3A_345 = arith.maximumf %max3A_322, %select_n3A_344 : vector<16xf32>
          %get3A_346 = arith.index_cast %rem3A_49 : i32 to index
          %get3A_347 = arith.index_cast %reduce_min3A_109 : i32 to index
          %get3A_348 = arith.constant 160 : index
          %get3A_349 = tpu.vector_load %arg9[%get3A_346, %get3A_347, %get3A_348] {strides = array<i32>} : memref<2x32x512xf32, #tpu.memory_space<vmem>>, vector<16xf32>,
          %eq3A_350 = vector.broadcast %reduce_max3A_66 : f32 to vector<16xf32>
          %eq3A_351 = arith.cmpf oeq, %get3A_349, %eq3A_350 : vector<16xf32>
          %add3A_352 = arith.constant 160 : i32
          %add3A_353 = vector.broadcast %add3A_352 : i32 to vector<16xi32>
          %add3A_354 = arith.addi %iota3A, %add3A_353 : vector<16xi32>
          %jit3A_355 = arith.constant 1073741824 : i32
          %broadcast_in_dim3A_356 = vector.broadcast %jit3A_355 : i32 to vector<16xi32>
          %select_n3A_357 = arith.select %eq3A_351, %add3A_354, %broadcast_in_dim3A_356 : vector<16xi1>, vector<16xi32>
          %min3A_358 = arith.minsi %min3A_335, %select_n3A_357 : vector<16xi32>
          %jit3A_359 = arith.constant 1 : i32
          %jit3A_360 = arith.constant 0 : i32
          %broadcast_in_dim3A_361 = vector.broadcast %jit3A_359 : i32 to vector<16xi32>
          %broadcast_in_dim3A_362 = vector.broadcast %jit3A_360 : i32 to vector<16xi32>
          %select_n3A_363 = arith.select %eq3A_351, %broadcast_in_dim3A_361, %broadcast_in_dim3A_362 : vector<16xi1>, vector<16xi32>
          %add3A_364 = arith.addi %add3A_341, %select_n3A_363 : vector<16xi32>
          %jit3A_365 = arith.constant -3.000000e+38 : f32
          %broadcast_in_dim3A_366 = vector.broadcast %jit3A_365 : f32 to vector<16xf32>
          %select_n3A_367 = arith.select %eq3A_351, %broadcast_in_dim3A_366, %get3A_349 : vector<16xi1>, vector<16xf32>
          %max3A_368 = arith.maximumf %max3A_345, %select_n3A_367 : vector<16xf32>
          %get3A_369 = arith.index_cast %rem3A_49 : i32 to index
          %get3A_370 = arith.index_cast %reduce_min3A_109 : i32 to index
          %get3A_371 = arith.constant 176 : index
          %get3A_372 = tpu.vector_load %arg9[%get3A_369, %get3A_370, %get3A_371] {strides = array<i32>} : memref<2x32x512xf32, #tpu.memory_space<vmem>>, vector<16xf32>,
          %eq3A_373 = vector.broadcast %reduce_max3A_66 : f32 to vector<16xf32>
          %eq3A_374 = arith.cmpf oeq, %get3A_372, %eq3A_373 : vector<16xf32>
          %add3A_375 = arith.constant 176 : i32
          %add3A_376 = vector.broadcast %add3A_375 : i32 to vector<16xi32>
          %add3A_377 = arith.addi %iota3A, %add3A_376 : vector<16xi32>
          %jit3A_378 = arith.constant 1073741824 : i32
          %broadcast_in_dim3A_379 = vector.broadcast %jit3A_378 : i32 to vector<16xi32>
          %select_n3A_380 = arith.select %eq3A_374, %add3A_377, %broadcast_in_dim3A_379 : vector<16xi1>, vector<16xi32>
          %min3A_381 = arith.minsi %min3A_358, %select_n3A_380 : vector<16xi32>
          %jit3A_382 = arith.constant 1 : i32
          %jit3A_383 = arith.constant 0 : i32
          %broadcast_in_dim3A_384 = vector.broadcast %jit3A_382 : i32 to vector<16xi32>
          %broadcast_in_dim3A_385 = vector.broadcast %jit3A_383 : i32 to vector<16xi32>
          %select_n3A_386 = arith.select %eq3A_374, %broadcast_in_dim3A_384, %broadcast_in_dim3A_385 : vector<16xi1>, vector<16xi32>
          %add3A_387 = arith.addi %add3A_364, %select_n3A_386 : vector<16xi32>
          %jit3A_388 = arith.constant -3.000000e+38 : f32
          %broadcast_in_dim3A_389 = vector.broadcast %jit3A_388 : f32 to vector<16xf32>
          %select_n3A_390 = arith.select %eq3A_374, %broadcast_in_dim3A_389, %get3A_372 : vector<16xi1>, vector<16xf32>
          %max3A_391 = arith.maximumf %max3A_368, %select_n3A_390 : vector<16xf32>
          %get3A_392 = arith.index_cast %rem3A_49 : i32 to index
          %get3A_393 = arith.index_cast %reduce_min3A_109 : i32 to index
          %get3A_394 = arith.constant 192 : index
          %get3A_395 = tpu.vector_load %arg9[%get3A_392, %get3A_393, %get3A_394] {strides = array<i32>} : memref<2x32x512xf32, #tpu.memory_space<vmem>>, vector<16xf32>,
          %eq3A_396 = vector.broadcast %reduce_max3A_66 : f32 to vector<16xf32>
          %eq3A_397 = arith.cmpf oeq, %get3A_395, %eq3A_396 : vector<16xf32>
          %add3A_398 = arith.constant 192 : i32
          %add3A_399 = vector.broadcast %add3A_398 : i32 to vector<16xi32>
          %add3A_400 = arith.addi %iota3A, %add3A_399 : vector<16xi32>
          %jit3A_401 = arith.constant 1073741824 : i32
          %broadcast_in_dim3A_402 = vector.broadcast %jit3A_401 : i32 to vector<16xi32>
          %select_n3A_403 = arith.select %eq3A_397, %add3A_400, %broadcast_in_dim3A_402 : vector<16xi1>, vector<16xi32>
          %min3A_404 = arith.minsi %min3A_381, %select_n3A_403 : vector<16xi32>
          %jit3A_405 = arith.constant 1 : i32
          %jit3A_406 = arith.constant 0 : i32
          %broadcast_in_dim3A_407 = vector.broadcast %jit3A_405 : i32 to vector<16xi32>
          %broadcast_in_dim3A_408 = vector.broadcast %jit3A_406 : i32 to vector<16xi32>
          %select_n3A_409 = arith.select %eq3A_397, %broadcast_in_dim3A_407, %broadcast_in_dim3A_408 : vector<16xi1>, vector<16xi32>
          %add3A_410 = arith.addi %add3A_387, %select_n3A_409 : vector<16xi32>
          %jit3A_411 = arith.constant -3.000000e+38 : f32
          %broadcast_in_dim3A_412 = vector.broadcast %jit3A_411 : f32 to vector<16xf32>
          %select_n3A_413 = arith.select %eq3A_397, %broadcast_in_dim3A_412, %get3A_395 : vector<16xi1>, vector<16xf32>
          %max3A_414 = arith.maximumf %max3A_391, %select_n3A_413 : vector<16xf32>
          %get3A_415 = arith.index_cast %rem3A_49 : i32 to index
          %get3A_416 = arith.index_cast %reduce_min3A_109 : i32 to index
          %get3A_417 = arith.constant 208 : index
          %get3A_418 = tpu.vector_load %arg9[%get3A_415, %get3A_416, %get3A_417] {strides = array<i32>} : memref<2x32x512xf32, #tpu.memory_space<vmem>>, vector<16xf32>,
          %eq3A_419 = vector.broadcast %reduce_max3A_66 : f32 to vector<16xf32>
          %eq3A_420 = arith.cmpf oeq, %get3A_418, %eq3A_419 : vector<16xf32>
          %add3A_421 = arith.constant 208 : i32
          %add3A_422 = vector.broadcast %add3A_421 : i32 to vector<16xi32>
          %add3A_423 = arith.addi %iota3A, %add3A_422 : vector<16xi32>
          %jit3A_424 = arith.constant 1073741824 : i32
          %broadcast_in_dim3A_425 = vector.broadcast %jit3A_424 : i32 to vector<16xi32>
          %select_n3A_426 = arith.select %eq3A_420, %add3A_423, %broadcast_in_dim3A_425 : vector<16xi1>, vector<16xi32>
          %min3A_427 = arith.minsi %min3A_404, %select_n3A_426 : vector<16xi32>
          %jit3A_428 = arith.constant 1 : i32
          %jit3A_429 = arith.constant 0 : i32
          %broadcast_in_dim3A_430 = vector.broadcast %jit3A_428 : i32 to vector<16xi32>
          %broadcast_in_dim3A_431 = vector.broadcast %jit3A_429 : i32 to vector<16xi32>
          %select_n3A_432 = arith.select %eq3A_420, %broadcast_in_dim3A_430, %broadcast_in_dim3A_431 : vector<16xi1>, vector<16xi32>
          %add3A_433 = arith.addi %add3A_410, %select_n3A_432 : vector<16xi32>
          %jit3A_434 = arith.constant -3.000000e+38 : f32
          %broadcast_in_dim3A_435 = vector.broadcast %jit3A_434 : f32 to vector<16xf32>
          %select_n3A_436 = arith.select %eq3A_420, %broadcast_in_dim3A_435, %get3A_418 : vector<16xi1>, vector<16xf32>
          %max3A_437 = arith.maximumf %max3A_414, %select_n3A_436 : vector<16xf32>
          %get3A_438 = arith.index_cast %rem3A_49 : i32 to index
          %get3A_439 = arith.index_cast %reduce_min3A_109 : i32 to index
          %get3A_440 = arith.constant 224 : index
          %get3A_441 = tpu.vector_load %arg9[%get3A_438, %get3A_439, %get3A_440] {strides = array<i32>} : memref<2x32x512xf32, #tpu.memory_space<vmem>>, vector<16xf32>,
          %eq3A_442 = vector.broadcast %reduce_max3A_66 : f32 to vector<16xf32>
          %eq3A_443 = arith.cmpf oeq, %get3A_441, %eq3A_442 : vector<16xf32>
          %add3A_444 = arith.constant 224 : i32
          %add3A_445 = vector.broadcast %add3A_444 : i32 to vector<16xi32>
          %add3A_446 = arith.addi %iota3A, %add3A_445 : vector<16xi32>
          %jit3A_447 = arith.constant 1073741824 : i32
          %broadcast_in_dim3A_448 = vector.broadcast %jit3A_447 : i32 to vector<16xi32>
          %select_n3A_449 = arith.select %eq3A_443, %add3A_446, %broadcast_in_dim3A_448 : vector<16xi1>, vector<16xi32>
          %min3A_450 = arith.minsi %min3A_427, %select_n3A_449 : vector<16xi32>
          %jit3A_451 = arith.constant 1 : i32
          %jit3A_452 = arith.constant 0 : i32
          %broadcast_in_dim3A_453 = vector.broadcast %jit3A_451 : i32 to vector<16xi32>
          %broadcast_in_dim3A_454 = vector.broadcast %jit3A_452 : i32 to vector<16xi32>
          %select_n3A_455 = arith.select %eq3A_443, %broadcast_in_dim3A_453, %broadcast_in_dim3A_454 : vector<16xi1>, vector<16xi32>
          %add3A_456 = arith.addi %add3A_433, %select_n3A_455 : vector<16xi32>
          %jit3A_457 = arith.constant -3.000000e+38 : f32
          %broadcast_in_dim3A_458 = vector.broadcast %jit3A_457 : f32 to vector<16xf32>
          %select_n3A_459 = arith.select %eq3A_443, %broadcast_in_dim3A_458, %get3A_441 : vector<16xi1>, vector<16xf32>
          %max3A_460 = arith.maximumf %max3A_437, %select_n3A_459 : vector<16xf32>
          %get3A_461 = arith.index_cast %rem3A_49 : i32 to index
          %get3A_462 = arith.index_cast %reduce_min3A_109 : i32 to index
          %get3A_463 = arith.constant 240 : index
          %get3A_464 = tpu.vector_load %arg9[%get3A_461, %get3A_462, %get3A_463] {strides = array<i32>} : memref<2x32x512xf32, #tpu.memory_space<vmem>>, vector<16xf32>,
          %eq3A_465 = vector.broadcast %reduce_max3A_66 : f32 to vector<16xf32>
          %eq3A_466 = arith.cmpf oeq, %get3A_464, %eq3A_465 : vector<16xf32>
          %add3A_467 = arith.constant 240 : i32
          %add3A_468 = vector.broadcast %add3A_467 : i32 to vector<16xi32>
          %add3A_469 = arith.addi %iota3A, %add3A_468 : vector<16xi32>
          %jit3A_470 = arith.constant 1073741824 : i32
          %broadcast_in_dim3A_471 = vector.broadcast %jit3A_470 : i32 to vector<16xi32>
          %select_n3A_472 = arith.select %eq3A_466, %add3A_469, %broadcast_in_dim3A_471 : vector<16xi1>, vector<16xi32>
          %min3A_473 = arith.minsi %min3A_450, %select_n3A_472 : vector<16xi32>
          %jit3A_474 = arith.constant 1 : i32
          %jit3A_475 = arith.constant 0 : i32
          %broadcast_in_dim3A_476 = vector.broadcast %jit3A_474 : i32 to vector<16xi32>
          %broadcast_in_dim3A_477 = vector.broadcast %jit3A_475 : i32 to vector<16xi32>
          %select_n3A_478 = arith.select %eq3A_466, %broadcast_in_dim3A_476, %broadcast_in_dim3A_477 : vector<16xi1>, vector<16xi32>
          %add3A_479 = arith.addi %add3A_456, %select_n3A_478 : vector<16xi32>
          %jit3A_480 = arith.constant -3.000000e+38 : f32
          %broadcast_in_dim3A_481 = vector.broadcast %jit3A_480 : f32 to vector<16xf32>
          %select_n3A_482 = arith.select %eq3A_466, %broadcast_in_dim3A_481, %get3A_464 : vector<16xi1>, vector<16xf32>
          %max3A_483 = arith.maximumf %max3A_460, %select_n3A_482 : vector<16xf32>
          %get3A_484 = arith.index_cast %rem3A_49 : i32 to index
          %get3A_485 = arith.index_cast %reduce_min3A_109 : i32 to index
          %get3A_486 = arith.constant 256 : index
          %get3A_487 = tpu.vector_load %arg9[%get3A_484, %get3A_485, %get3A_486] {strides = array<i32>} : memref<2x32x512xf32, #tpu.memory_space<vmem>>, vector<16xf32>,
          %eq3A_488 = vector.broadcast %reduce_max3A_66 : f32 to vector<16xf32>
          %eq3A_489 = arith.cmpf oeq, %get3A_487, %eq3A_488 : vector<16xf32>
          %add3A_490 = arith.constant 256 : i32
          %add3A_491 = vector.broadcast %add3A_490 : i32 to vector<16xi32>
          %add3A_492 = arith.addi %iota3A, %add3A_491 : vector<16xi32>
          %jit3A_493 = arith.constant 1073741824 : i32
          %broadcast_in_dim3A_494 = vector.broadcast %jit3A_493 : i32 to vector<16xi32>
          %select_n3A_495 = arith.select %eq3A_489, %add3A_492, %broadcast_in_dim3A_494 : vector<16xi1>, vector<16xi32>
          %min3A_496 = arith.minsi %min3A_473, %select_n3A_495 : vector<16xi32>
          %jit3A_497 = arith.constant 1 : i32
          %jit3A_498 = arith.constant 0 : i32
          %broadcast_in_dim3A_499 = vector.broadcast %jit3A_497 : i32 to vector<16xi32>
          %broadcast_in_dim3A_500 = vector.broadcast %jit3A_498 : i32 to vector<16xi32>
          %select_n3A_501 = arith.select %eq3A_489, %broadcast_in_dim3A_499, %broadcast_in_dim3A_500 : vector<16xi1>, vector<16xi32>
          %add3A_502 = arith.addi %add3A_479, %select_n3A_501 : vector<16xi32>
          %jit3A_503 = arith.constant -3.000000e+38 : f32
          %broadcast_in_dim3A_504 = vector.broadcast %jit3A_503 : f32 to vector<16xf32>
          %select_n3A_505 = arith.select %eq3A_489, %broadcast_in_dim3A_504, %get3A_487 : vector<16xi1>, vector<16xf32>
          %max3A_506 = arith.maximumf %max3A_483, %select_n3A_505 : vector<16xf32>
          %get3A_507 = arith.index_cast %rem3A_49 : i32 to index
          %get3A_508 = arith.index_cast %reduce_min3A_109 : i32 to index
          %get3A_509 = arith.constant 272 : index
          %get3A_510 = tpu.vector_load %arg9[%get3A_507, %get3A_508, %get3A_509] {strides = array<i32>} : memref<2x32x512xf32, #tpu.memory_space<vmem>>, vector<16xf32>,
          %eq3A_511 = vector.broadcast %reduce_max3A_66 : f32 to vector<16xf32>
          %eq3A_512 = arith.cmpf oeq, %get3A_510, %eq3A_511 : vector<16xf32>
          %add3A_513 = arith.constant 272 : i32
          %add3A_514 = vector.broadcast %add3A_513 : i32 to vector<16xi32>
          %add3A_515 = arith.addi %iota3A, %add3A_514 : vector<16xi32>
          %jit3A_516 = arith.constant 1073741824 : i32
          %broadcast_in_dim3A_517 = vector.broadcast %jit3A_516 : i32 to vector<16xi32>
          %select_n3A_518 = arith.select %eq3A_512, %add3A_515, %broadcast_in_dim3A_517 : vector<16xi1>, vector<16xi32>
          %min3A_519 = arith.minsi %min3A_496, %select_n3A_518 : vector<16xi32>
          %jit3A_520 = arith.constant 1 : i32
          %jit3A_521 = arith.constant 0 : i32
          %broadcast_in_dim3A_522 = vector.broadcast %jit3A_520 : i32 to vector<16xi32>
          %broadcast_in_dim3A_523 = vector.broadcast %jit3A_521 : i32 to vector<16xi32>
          %select_n3A_524 = arith.select %eq3A_512, %broadcast_in_dim3A_522, %broadcast_in_dim3A_523 : vector<16xi1>, vector<16xi32>
          %add3A_525 = arith.addi %add3A_502, %select_n3A_524 : vector<16xi32>
          %jit3A_526 = arith.constant -3.000000e+38 : f32
          %broadcast_in_dim3A_527 = vector.broadcast %jit3A_526 : f32 to vector<16xf32>
          %select_n3A_528 = arith.select %eq3A_512, %broadcast_in_dim3A_527, %get3A_510 : vector<16xi1>, vector<16xf32>
          %max3A_529 = arith.maximumf %max3A_506, %select_n3A_528 : vector<16xf32>
          %get3A_530 = arith.index_cast %rem3A_49 : i32 to index
          %get3A_531 = arith.index_cast %reduce_min3A_109 : i32 to index
          %get3A_532 = arith.constant 288 : index
          %get3A_533 = tpu.vector_load %arg9[%get3A_530, %get3A_531, %get3A_532] {strides = array<i32>} : memref<2x32x512xf32, #tpu.memory_space<vmem>>, vector<16xf32>,
          %eq3A_534 = vector.broadcast %reduce_max3A_66 : f32 to vector<16xf32>
          %eq3A_535 = arith.cmpf oeq, %get3A_533, %eq3A_534 : vector<16xf32>
          %add3A_536 = arith.constant 288 : i32
          %add3A_537 = vector.broadcast %add3A_536 : i32 to vector<16xi32>
          %add3A_538 = arith.addi %iota3A, %add3A_537 : vector<16xi32>
          %jit3A_539 = arith.constant 1073741824 : i32
          %broadcast_in_dim3A_540 = vector.broadcast %jit3A_539 : i32 to vector<16xi32>
          %select_n3A_541 = arith.select %eq3A_535, %add3A_538, %broadcast_in_dim3A_540 : vector<16xi1>, vector<16xi32>
          %min3A_542 = arith.minsi %min3A_519, %select_n3A_541 : vector<16xi32>
          %jit3A_543 = arith.constant 1 : i32
          %jit3A_544 = arith.constant 0 : i32
          %broadcast_in_dim3A_545 = vector.broadcast %jit3A_543 : i32 to vector<16xi32>
          %broadcast_in_dim3A_546 = vector.broadcast %jit3A_544 : i32 to vector<16xi32>
          %select_n3A_547 = arith.select %eq3A_535, %broadcast_in_dim3A_545, %broadcast_in_dim3A_546 : vector<16xi1>, vector<16xi32>
          %add3A_548 = arith.addi %add3A_525, %select_n3A_547 : vector<16xi32>
          %jit3A_549 = arith.constant -3.000000e+38 : f32
          %broadcast_in_dim3A_550 = vector.broadcast %jit3A_549 : f32 to vector<16xf32>
          %select_n3A_551 = arith.select %eq3A_535, %broadcast_in_dim3A_550, %get3A_533 : vector<16xi1>, vector<16xf32>
          %max3A_552 = arith.maximumf %max3A_529, %select_n3A_551 : vector<16xf32>
          %get3A_553 = arith.index_cast %rem3A_49 : i32 to index
          %get3A_554 = arith.index_cast %reduce_min3A_109 : i32 to index
          %get3A_555 = arith.constant 304 : index
          %get3A_556 = tpu.vector_load %arg9[%get3A_553, %get3A_554, %get3A_555] {strides = array<i32>} : memref<2x32x512xf32, #tpu.memory_space<vmem>>, vector<16xf32>,
          %eq3A_557 = vector.broadcast %reduce_max3A_66 : f32 to vector<16xf32>
          %eq3A_558 = arith.cmpf oeq, %get3A_556, %eq3A_557 : vector<16xf32>
          %add3A_559 = arith.constant 304 : i32
          %add3A_560 = vector.broadcast %add3A_559 : i32 to vector<16xi32>
          %add3A_561 = arith.addi %iota3A, %add3A_560 : vector<16xi32>
          %jit3A_562 = arith.constant 1073741824 : i32
          %broadcast_in_dim3A_563 = vector.broadcast %jit3A_562 : i32 to vector<16xi32>
          %select_n3A_564 = arith.select %eq3A_558, %add3A_561, %broadcast_in_dim3A_563 : vector<16xi1>, vector<16xi32>
          %min3A_565 = arith.minsi %min3A_542, %select_n3A_564 : vector<16xi32>
          %jit3A_566 = arith.constant 1 : i32
          %jit3A_567 = arith.constant 0 : i32
          %broadcast_in_dim3A_568 = vector.broadcast %jit3A_566 : i32 to vector<16xi32>
          %broadcast_in_dim3A_569 = vector.broadcast %jit3A_567 : i32 to vector<16xi32>
          %select_n3A_570 = arith.select %eq3A_558, %broadcast_in_dim3A_568, %broadcast_in_dim3A_569 : vector<16xi1>, vector<16xi32>
          %add3A_571 = arith.addi %add3A_548, %select_n3A_570 : vector<16xi32>
          %jit3A_572 = arith.constant -3.000000e+38 : f32
          %broadcast_in_dim3A_573 = vector.broadcast %jit3A_572 : f32 to vector<16xf32>
          %select_n3A_574 = arith.select %eq3A_558, %broadcast_in_dim3A_573, %get3A_556 : vector<16xi1>, vector<16xf32>
          %max3A_575 = arith.maximumf %max3A_552, %select_n3A_574 : vector<16xf32>
          %get3A_576 = arith.index_cast %rem3A_49 : i32 to index
          %get3A_577 = arith.index_cast %reduce_min3A_109 : i32 to index
          %get3A_578 = arith.constant 320 : index
          %get3A_579 = tpu.vector_load %arg9[%get3A_576, %get3A_577, %get3A_578] {strides = array<i32>} : memref<2x32x512xf32, #tpu.memory_space<vmem>>, vector<16xf32>,
          %eq3A_580 = vector.broadcast %reduce_max3A_66 : f32 to vector<16xf32>
          %eq3A_581 = arith.cmpf oeq, %get3A_579, %eq3A_580 : vector<16xf32>
          %add3A_582 = arith.constant 320 : i32
          %add3A_583 = vector.broadcast %add3A_582 : i32 to vector<16xi32>
          %add3A_584 = arith.addi %iota3A, %add3A_583 : vector<16xi32>
          %jit3A_585 = arith.constant 1073741824 : i32
          %broadcast_in_dim3A_586 = vector.broadcast %jit3A_585 : i32 to vector<16xi32>
          %select_n3A_587 = arith.select %eq3A_581, %add3A_584, %broadcast_in_dim3A_586 : vector<16xi1>, vector<16xi32>
          %min3A_588 = arith.minsi %min3A_565, %select_n3A_587 : vector<16xi32>
          %jit3A_589 = arith.constant 1 : i32
          %jit3A_590 = arith.constant 0 : i32
          %broadcast_in_dim3A_591 = vector.broadcast %jit3A_589 : i32 to vector<16xi32>
          %broadcast_in_dim3A_592 = vector.broadcast %jit3A_590 : i32 to vector<16xi32>
          %select_n3A_593 = arith.select %eq3A_581, %broadcast_in_dim3A_591, %broadcast_in_dim3A_592 : vector<16xi1>, vector<16xi32>
          %add3A_594 = arith.addi %add3A_571, %select_n3A_593 : vector<16xi32>
          %jit3A_595 = arith.constant -3.000000e+38 : f32
          %broadcast_in_dim3A_596 = vector.broadcast %jit3A_595 : f32 to vector<16xf32>
          %select_n3A_597 = arith.select %eq3A_581, %broadcast_in_dim3A_596, %get3A_579 : vector<16xi1>, vector<16xf32>
          %max3A_598 = arith.maximumf %max3A_575, %select_n3A_597 : vector<16xf32>
          %get3A_599 = arith.index_cast %rem3A_49 : i32 to index
          %get3A_600 = arith.index_cast %reduce_min3A_109 : i32 to index
          %get3A_601 = arith.constant 336 : index
          %get3A_602 = tpu.vector_load %arg9[%get3A_599, %get3A_600, %get3A_601] {strides = array<i32>} : memref<2x32x512xf32, #tpu.memory_space<vmem>>, vector<16xf32>,
          %eq3A_603 = vector.broadcast %reduce_max3A_66 : f32 to vector<16xf32>
          %eq3A_604 = arith.cmpf oeq, %get3A_602, %eq3A_603 : vector<16xf32>
          %add3A_605 = arith.constant 336 : i32
          %add3A_606 = vector.broadcast %add3A_605 : i32 to vector<16xi32>
          %add3A_607 = arith.addi %iota3A, %add3A_606 : vector<16xi32>
          %jit3A_608 = arith.constant 1073741824 : i32
          %broadcast_in_dim3A_609 = vector.broadcast %jit3A_608 : i32 to vector<16xi32>
          %select_n3A_610 = arith.select %eq3A_604, %add3A_607, %broadcast_in_dim3A_609 : vector<16xi1>, vector<16xi32>
          %min3A_611 = arith.minsi %min3A_588, %select_n3A_610 : vector<16xi32>
          %jit3A_612 = arith.constant 1 : i32
          %jit3A_613 = arith.constant 0 : i32
          %broadcast_in_dim3A_614 = vector.broadcast %jit3A_612 : i32 to vector<16xi32>
          %broadcast_in_dim3A_615 = vector.broadcast %jit3A_613 : i32 to vector<16xi32>
          %select_n3A_616 = arith.select %eq3A_604, %broadcast_in_dim3A_614, %broadcast_in_dim3A_615 : vector<16xi1>, vector<16xi32>
          %add3A_617 = arith.addi %add3A_594, %select_n3A_616 : vector<16xi32>
          %jit3A_618 = arith.constant -3.000000e+38 : f32
          %broadcast_in_dim3A_619 = vector.broadcast %jit3A_618 : f32 to vector<16xf32>
          %select_n3A_620 = arith.select %eq3A_604, %broadcast_in_dim3A_619, %get3A_602 : vector<16xi1>, vector<16xf32>
          %max3A_621 = arith.maximumf %max3A_598, %select_n3A_620 : vector<16xf32>
          %get3A_622 = arith.index_cast %rem3A_49 : i32 to index
          %get3A_623 = arith.index_cast %reduce_min3A_109 : i32 to index
          %get3A_624 = arith.constant 352 : index
          %get3A_625 = tpu.vector_load %arg9[%get3A_622, %get3A_623, %get3A_624] {strides = array<i32>} : memref<2x32x512xf32, #tpu.memory_space<vmem>>, vector<16xf32>,
          %eq3A_626 = vector.broadcast %reduce_max3A_66 : f32 to vector<16xf32>
          %eq3A_627 = arith.cmpf oeq, %get3A_625, %eq3A_626 : vector<16xf32>
          %add3A_628 = arith.constant 352 : i32
          %add3A_629 = vector.broadcast %add3A_628 : i32 to vector<16xi32>
          %add3A_630 = arith.addi %iota3A, %add3A_629 : vector<16xi32>
          %jit3A_631 = arith.constant 1073741824 : i32
          %broadcast_in_dim3A_632 = vector.broadcast %jit3A_631 : i32 to vector<16xi32>
          %select_n3A_633 = arith.select %eq3A_627, %add3A_630, %broadcast_in_dim3A_632 : vector<16xi1>, vector<16xi32>
          %min3A_634 = arith.minsi %min3A_611, %select_n3A_633 : vector<16xi32>
          %jit3A_635 = arith.constant 1 : i32
          %jit3A_636 = arith.constant 0 : i32
          %broadcast_in_dim3A_637 = vector.broadcast %jit3A_635 : i32 to vector<16xi32>
          %broadcast_in_dim3A_638 = vector.broadcast %jit3A_636 : i32 to vector<16xi32>
          %select_n3A_639 = arith.select %eq3A_627, %broadcast_in_dim3A_637, %broadcast_in_dim3A_638 : vector<16xi1>, vector<16xi32>
          %add3A_640 = arith.addi %add3A_617, %select_n3A_639 : vector<16xi32>
          %jit3A_641 = arith.constant -3.000000e+38 : f32
          %broadcast_in_dim3A_642 = vector.broadcast %jit3A_641 : f32 to vector<16xf32>
          %select_n3A_643 = arith.select %eq3A_627, %broadcast_in_dim3A_642, %get3A_625 : vector<16xi1>, vector<16xf32>
          %max3A_644 = arith.maximumf %max3A_621, %select_n3A_643 : vector<16xf32>
          %get3A_645 = arith.index_cast %rem3A_49 : i32 to index
          %get3A_646 = arith.index_cast %reduce_min3A_109 : i32 to index
          %get3A_647 = arith.constant 368 : index
          %get3A_648 = tpu.vector_load %arg9[%get3A_645, %get3A_646, %get3A_647] {strides = array<i32>} : memref<2x32x512xf32, #tpu.memory_space<vmem>>, vector<16xf32>,
          %eq3A_649 = vector.broadcast %reduce_max3A_66 : f32 to vector<16xf32>
          %eq3A_650 = arith.cmpf oeq, %get3A_648, %eq3A_649 : vector<16xf32>
          %add3A_651 = arith.constant 368 : i32
          %add3A_652 = vector.broadcast %add3A_651 : i32 to vector<16xi32>
          %add3A_653 = arith.addi %iota3A, %add3A_652 : vector<16xi32>
          %jit3A_654 = arith.constant 1073741824 : i32
          %broadcast_in_dim3A_655 = vector.broadcast %jit3A_654 : i32 to vector<16xi32>
          %select_n3A_656 = arith.select %eq3A_650, %add3A_653, %broadcast_in_dim3A_655 : vector<16xi1>, vector<16xi32>
          %min3A_657 = arith.minsi %min3A_634, %select_n3A_656 : vector<16xi32>
          %jit3A_658 = arith.constant 1 : i32
          %jit3A_659 = arith.constant 0 : i32
          %broadcast_in_dim3A_660 = vector.broadcast %jit3A_658 : i32 to vector<16xi32>
          %broadcast_in_dim3A_661 = vector.broadcast %jit3A_659 : i32 to vector<16xi32>
          %select_n3A_662 = arith.select %eq3A_650, %broadcast_in_dim3A_660, %broadcast_in_dim3A_661 : vector<16xi1>, vector<16xi32>
          %add3A_663 = arith.addi %add3A_640, %select_n3A_662 : vector<16xi32>
          %jit3A_664 = arith.constant -3.000000e+38 : f32
          %broadcast_in_dim3A_665 = vector.broadcast %jit3A_664 : f32 to vector<16xf32>
          %select_n3A_666 = arith.select %eq3A_650, %broadcast_in_dim3A_665, %get3A_648 : vector<16xi1>, vector<16xf32>
          %max3A_667 = arith.maximumf %max3A_644, %select_n3A_666 : vector<16xf32>
          %get3A_668 = arith.index_cast %rem3A_49 : i32 to index
          %get3A_669 = arith.index_cast %reduce_min3A_109 : i32 to index
          %get3A_670 = arith.constant 384 : index
          %get3A_671 = tpu.vector_load %arg9[%get3A_668, %get3A_669, %get3A_670] {strides = array<i32>} : memref<2x32x512xf32, #tpu.memory_space<vmem>>, vector<16xf32>,
          %eq3A_672 = vector.broadcast %reduce_max3A_66 : f32 to vector<16xf32>
          %eq3A_673 = arith.cmpf oeq, %get3A_671, %eq3A_672 : vector<16xf32>
          %add3A_674 = arith.constant 384 : i32
          %add3A_675 = vector.broadcast %add3A_674 : i32 to vector<16xi32>
          %add3A_676 = arith.addi %iota3A, %add3A_675 : vector<16xi32>
          %jit3A_677 = arith.constant 1073741824 : i32
          %broadcast_in_dim3A_678 = vector.broadcast %jit3A_677 : i32 to vector<16xi32>
          %select_n3A_679 = arith.select %eq3A_673, %add3A_676, %broadcast_in_dim3A_678 : vector<16xi1>, vector<16xi32>
          %min3A_680 = arith.minsi %min3A_657, %select_n3A_679 : vector<16xi32>
          %jit3A_681 = arith.constant 1 : i32
          %jit3A_682 = arith.constant 0 : i32
          %broadcast_in_dim3A_683 = vector.broadcast %jit3A_681 : i32 to vector<16xi32>
          %broadcast_in_dim3A_684 = vector.broadcast %jit3A_682 : i32 to vector<16xi32>
          %select_n3A_685 = arith.select %eq3A_673, %broadcast_in_dim3A_683, %broadcast_in_dim3A_684 : vector<16xi1>, vector<16xi32>
          %add3A_686 = arith.addi %add3A_663, %select_n3A_685 : vector<16xi32>
          %jit3A_687 = arith.constant -3.000000e+38 : f32
          %broadcast_in_dim3A_688 = vector.broadcast %jit3A_687 : f32 to vector<16xf32>
          %select_n3A_689 = arith.select %eq3A_673, %broadcast_in_dim3A_688, %get3A_671 : vector<16xi1>, vector<16xf32>
          %max3A_690 = arith.maximumf %max3A_667, %select_n3A_689 : vector<16xf32>
          %get3A_691 = arith.index_cast %rem3A_49 : i32 to index
          %get3A_692 = arith.index_cast %reduce_min3A_109 : i32 to index
          %get3A_693 = arith.constant 400 : index
          %get3A_694 = tpu.vector_load %arg9[%get3A_691, %get3A_692, %get3A_693] {strides = array<i32>} : memref<2x32x512xf32, #tpu.memory_space<vmem>>, vector<16xf32>,
          %eq3A_695 = vector.broadcast %reduce_max3A_66 : f32 to vector<16xf32>
          %eq3A_696 = arith.cmpf oeq, %get3A_694, %eq3A_695 : vector<16xf32>
          %add3A_697 = arith.constant 400 : i32
          %add3A_698 = vector.broadcast %add3A_697 : i32 to vector<16xi32>
          %add3A_699 = arith.addi %iota3A, %add3A_698 : vector<16xi32>
          %jit3A_700 = arith.constant 1073741824 : i32
          %broadcast_in_dim3A_701 = vector.broadcast %jit3A_700 : i32 to vector<16xi32>
          %select_n3A_702 = arith.select %eq3A_696, %add3A_699, %broadcast_in_dim3A_701 : vector<16xi1>, vector<16xi32>
          %min3A_703 = arith.minsi %min3A_680, %select_n3A_702 : vector<16xi32>
          %jit3A_704 = arith.constant 1 : i32
          %jit3A_705 = arith.constant 0 : i32
          %broadcast_in_dim3A_706 = vector.broadcast %jit3A_704 : i32 to vector<16xi32>
          %broadcast_in_dim3A_707 = vector.broadcast %jit3A_705 : i32 to vector<16xi32>
          %select_n3A_708 = arith.select %eq3A_696, %broadcast_in_dim3A_706, %broadcast_in_dim3A_707 : vector<16xi1>, vector<16xi32>
          %add3A_709 = arith.addi %add3A_686, %select_n3A_708 : vector<16xi32>
          %jit3A_710 = arith.constant -3.000000e+38 : f32
          %broadcast_in_dim3A_711 = vector.broadcast %jit3A_710 : f32 to vector<16xf32>
          %select_n3A_712 = arith.select %eq3A_696, %broadcast_in_dim3A_711, %get3A_694 : vector<16xi1>, vector<16xf32>
          %max3A_713 = arith.maximumf %max3A_690, %select_n3A_712 : vector<16xf32>
          %get3A_714 = arith.index_cast %rem3A_49 : i32 to index
          %get3A_715 = arith.index_cast %reduce_min3A_109 : i32 to index
          %get3A_716 = arith.constant 416 : index
          %get3A_717 = tpu.vector_load %arg9[%get3A_714, %get3A_715, %get3A_716] {strides = array<i32>} : memref<2x32x512xf32, #tpu.memory_space<vmem>>, vector<16xf32>,
          %eq3A_718 = vector.broadcast %reduce_max3A_66 : f32 to vector<16xf32>
          %eq3A_719 = arith.cmpf oeq, %get3A_717, %eq3A_718 : vector<16xf32>
          %add3A_720 = arith.constant 416 : i32
          %add3A_721 = vector.broadcast %add3A_720 : i32 to vector<16xi32>
          %add3A_722 = arith.addi %iota3A, %add3A_721 : vector<16xi32>
          %jit3A_723 = arith.constant 1073741824 : i32
          %broadcast_in_dim3A_724 = vector.broadcast %jit3A_723 : i32 to vector<16xi32>
          %select_n3A_725 = arith.select %eq3A_719, %add3A_722, %broadcast_in_dim3A_724 : vector<16xi1>, vector<16xi32>
          %min3A_726 = arith.minsi %min3A_703, %select_n3A_725 : vector<16xi32>
          %jit3A_727 = arith.constant 1 : i32
          %jit3A_728 = arith.constant 0 : i32
          %broadcast_in_dim3A_729 = vector.broadcast %jit3A_727 : i32 to vector<16xi32>
          %broadcast_in_dim3A_730 = vector.broadcast %jit3A_728 : i32 to vector<16xi32>
          %select_n3A_731 = arith.select %eq3A_719, %broadcast_in_dim3A_729, %broadcast_in_dim3A_730 : vector<16xi1>, vector<16xi32>
          %add3A_732 = arith.addi %add3A_709, %select_n3A_731 : vector<16xi32>
          %jit3A_733 = arith.constant -3.000000e+38 : f32
          %broadcast_in_dim3A_734 = vector.broadcast %jit3A_733 : f32 to vector<16xf32>
          %select_n3A_735 = arith.select %eq3A_719, %broadcast_in_dim3A_734, %get3A_717 : vector<16xi1>, vector<16xf32>
          %max3A_736 = arith.maximumf %max3A_713, %select_n3A_735 : vector<16xf32>
          %get3A_737 = arith.index_cast %rem3A_49 : i32 to index
          %get3A_738 = arith.index_cast %reduce_min3A_109 : i32 to index
          %get3A_739 = arith.constant 432 : index
          %get3A_740 = tpu.vector_load %arg9[%get3A_737, %get3A_738, %get3A_739] {strides = array<i32>} : memref<2x32x512xf32, #tpu.memory_space<vmem>>, vector<16xf32>,
          %eq3A_741 = vector.broadcast %reduce_max3A_66 : f32 to vector<16xf32>
          %eq3A_742 = arith.cmpf oeq, %get3A_740, %eq3A_741 : vector<16xf32>
          %add3A_743 = arith.constant 432 : i32
          %add3A_744 = vector.broadcast %add3A_743 : i32 to vector<16xi32>
          %add3A_745 = arith.addi %iota3A, %add3A_744 : vector<16xi32>
          %jit3A_746 = arith.constant 1073741824 : i32
          %broadcast_in_dim3A_747 = vector.broadcast %jit3A_746 : i32 to vector<16xi32>
          %select_n3A_748 = arith.select %eq3A_742, %add3A_745, %broadcast_in_dim3A_747 : vector<16xi1>, vector<16xi32>
          %min3A_749 = arith.minsi %min3A_726, %select_n3A_748 : vector<16xi32>
          %jit3A_750 = arith.constant 1 : i32
          %jit3A_751 = arith.constant 0 : i32
          %broadcast_in_dim3A_752 = vector.broadcast %jit3A_750 : i32 to vector<16xi32>
          %broadcast_in_dim3A_753 = vector.broadcast %jit3A_751 : i32 to vector<16xi32>
          %select_n3A_754 = arith.select %eq3A_742, %broadcast_in_dim3A_752, %broadcast_in_dim3A_753 : vector<16xi1>, vector<16xi32>
          %add3A_755 = arith.addi %add3A_732, %select_n3A_754 : vector<16xi32>
          %jit3A_756 = arith.constant -3.000000e+38 : f32
          %broadcast_in_dim3A_757 = vector.broadcast %jit3A_756 : f32 to vector<16xf32>
          %select_n3A_758 = arith.select %eq3A_742, %broadcast_in_dim3A_757, %get3A_740 : vector<16xi1>, vector<16xf32>
          %max3A_759 = arith.maximumf %max3A_736, %select_n3A_758 : vector<16xf32>
          %get3A_760 = arith.index_cast %rem3A_49 : i32 to index
          %get3A_761 = arith.index_cast %reduce_min3A_109 : i32 to index
          %get3A_762 = arith.constant 448 : index
          %get3A_763 = tpu.vector_load %arg9[%get3A_760, %get3A_761, %get3A_762] {strides = array<i32>} : memref<2x32x512xf32, #tpu.memory_space<vmem>>, vector<16xf32>,
          %eq3A_764 = vector.broadcast %reduce_max3A_66 : f32 to vector<16xf32>
          %eq3A_765 = arith.cmpf oeq, %get3A_763, %eq3A_764 : vector<16xf32>
          %add3A_766 = arith.constant 448 : i32
          %add3A_767 = vector.broadcast %add3A_766 : i32 to vector<16xi32>
          %add3A_768 = arith.addi %iota3A, %add3A_767 : vector<16xi32>
          %jit3A_769 = arith.constant 1073741824 : i32
          %broadcast_in_dim3A_770 = vector.broadcast %jit3A_769 : i32 to vector<16xi32>
          %select_n3A_771 = arith.select %eq3A_765, %add3A_768, %broadcast_in_dim3A_770 : vector<16xi1>, vector<16xi32>
          %min3A_772 = arith.minsi %min3A_749, %select_n3A_771 : vector<16xi32>
          %jit3A_773 = arith.constant 1 : i32
          %jit3A_774 = arith.constant 0 : i32
          %broadcast_in_dim3A_775 = vector.broadcast %jit3A_773 : i32 to vector<16xi32>
          %broadcast_in_dim3A_776 = vector.broadcast %jit3A_774 : i32 to vector<16xi32>
          %select_n3A_777 = arith.select %eq3A_765, %broadcast_in_dim3A_775, %broadcast_in_dim3A_776 : vector<16xi1>, vector<16xi32>
          %add3A_778 = arith.addi %add3A_755, %select_n3A_777 : vector<16xi32>
          %jit3A_779 = arith.constant -3.000000e+38 : f32
          %broadcast_in_dim3A_780 = vector.broadcast %jit3A_779 : f32 to vector<16xf32>
          %select_n3A_781 = arith.select %eq3A_765, %broadcast_in_dim3A_780, %get3A_763 : vector<16xi1>, vector<16xf32>
          %max3A_782 = arith.maximumf %max3A_759, %select_n3A_781 : vector<16xf32>
          %get3A_783 = arith.index_cast %rem3A_49 : i32 to index
          %get3A_784 = arith.index_cast %reduce_min3A_109 : i32 to index
          %get3A_785 = arith.constant 464 : index
          %get3A_786 = tpu.vector_load %arg9[%get3A_783, %get3A_784, %get3A_785] {strides = array<i32>} : memref<2x32x512xf32, #tpu.memory_space<vmem>>, vector<16xf32>,
          %eq3A_787 = vector.broadcast %reduce_max3A_66 : f32 to vector<16xf32>
          %eq3A_788 = arith.cmpf oeq, %get3A_786, %eq3A_787 : vector<16xf32>
          %add3A_789 = arith.constant 464 : i32
          %add3A_790 = vector.broadcast %add3A_789 : i32 to vector<16xi32>
          %add3A_791 = arith.addi %iota3A, %add3A_790 : vector<16xi32>
          %jit3A_792 = arith.constant 1073741824 : i32
          %broadcast_in_dim3A_793 = vector.broadcast %jit3A_792 : i32 to vector<16xi32>
          %select_n3A_794 = arith.select %eq3A_788, %add3A_791, %broadcast_in_dim3A_793 : vector<16xi1>, vector<16xi32>
          %min3A_795 = arith.minsi %min3A_772, %select_n3A_794 : vector<16xi32>
          %jit3A_796 = arith.constant 1 : i32
          %jit3A_797 = arith.constant 0 : i32
          %broadcast_in_dim3A_798 = vector.broadcast %jit3A_796 : i32 to vector<16xi32>
          %broadcast_in_dim3A_799 = vector.broadcast %jit3A_797 : i32 to vector<16xi32>
          %select_n3A_800 = arith.select %eq3A_788, %broadcast_in_dim3A_798, %broadcast_in_dim3A_799 : vector<16xi1>, vector<16xi32>
          %add3A_801 = arith.addi %add3A_778, %select_n3A_800 : vector<16xi32>
          %jit3A_802 = arith.constant -3.000000e+38 : f32
          %broadcast_in_dim3A_803 = vector.broadcast %jit3A_802 : f32 to vector<16xf32>
          %select_n3A_804 = arith.select %eq3A_788, %broadcast_in_dim3A_803, %get3A_786 : vector<16xi1>, vector<16xf32>
          %max3A_805 = arith.maximumf %max3A_782, %select_n3A_804 : vector<16xf32>
          %get3A_806 = arith.index_cast %rem3A_49 : i32 to index
          %get3A_807 = arith.index_cast %reduce_min3A_109 : i32 to index
          %get3A_808 = arith.constant 480 : index
          %get3A_809 = tpu.vector_load %arg9[%get3A_806, %get3A_807, %get3A_808] {strides = array<i32>} : memref<2x32x512xf32, #tpu.memory_space<vmem>>, vector<16xf32>,
          %eq3A_810 = vector.broadcast %reduce_max3A_66 : f32 to vector<16xf32>
          %eq3A_811 = arith.cmpf oeq, %get3A_809, %eq3A_810 : vector<16xf32>
          %add3A_812 = arith.constant 480 : i32
          %add3A_813 = vector.broadcast %add3A_812 : i32 to vector<16xi32>
          %add3A_814 = arith.addi %iota3A, %add3A_813 : vector<16xi32>
          %jit3A_815 = arith.constant 1073741824 : i32
          %broadcast_in_dim3A_816 = vector.broadcast %jit3A_815 : i32 to vector<16xi32>
          %select_n3A_817 = arith.select %eq3A_811, %add3A_814, %broadcast_in_dim3A_816 : vector<16xi1>, vector<16xi32>
          %min3A_818 = arith.minsi %min3A_795, %select_n3A_817 : vector<16xi32>
          %jit3A_819 = arith.constant 1 : i32
          %jit3A_820 = arith.constant 0 : i32
          %broadcast_in_dim3A_821 = vector.broadcast %jit3A_819 : i32 to vector<16xi32>
          %broadcast_in_dim3A_822 = vector.broadcast %jit3A_820 : i32 to vector<16xi32>
          %select_n3A_823 = arith.select %eq3A_811, %broadcast_in_dim3A_821, %broadcast_in_dim3A_822 : vector<16xi1>, vector<16xi32>
          %add3A_824 = arith.addi %add3A_801, %select_n3A_823 : vector<16xi32>
          %jit3A_825 = arith.constant -3.000000e+38 : f32
          %broadcast_in_dim3A_826 = vector.broadcast %jit3A_825 : f32 to vector<16xf32>
          %select_n3A_827 = arith.select %eq3A_811, %broadcast_in_dim3A_826, %get3A_809 : vector<16xi1>, vector<16xf32>
          %max3A_828 = arith.maximumf %max3A_805, %select_n3A_827 : vector<16xf32>
          %get3A_829 = arith.index_cast %rem3A_49 : i32 to index
          %get3A_830 = arith.index_cast %reduce_min3A_109 : i32 to index
          %get3A_831 = arith.constant 496 : index
          %get3A_832 = tpu.vector_load %arg9[%get3A_829, %get3A_830, %get3A_831] {strides = array<i32>} : memref<2x32x512xf32, #tpu.memory_space<vmem>>, vector<16xf32>,
          %eq3A_833 = vector.broadcast %reduce_max3A_66 : f32 to vector<16xf32>
          %eq3A_834 = arith.cmpf oeq, %get3A_832, %eq3A_833 : vector<16xf32>
          %add3A_835 = arith.constant 496 : i32
          %add3A_836 = vector.broadcast %add3A_835 : i32 to vector<16xi32>
          %add3A_837 = arith.addi %iota3A, %add3A_836 : vector<16xi32>
          %jit3A_838 = arith.constant 1073741824 : i32
          %broadcast_in_dim3A_839 = vector.broadcast %jit3A_838 : i32 to vector<16xi32>
          %select_n3A_840 = arith.select %eq3A_834, %add3A_837, %broadcast_in_dim3A_839 : vector<16xi1>, vector<16xi32>
          %min3A_841 = arith.minsi %min3A_818, %select_n3A_840 : vector<16xi32>
          %jit3A_842 = arith.constant 1 : i32
          %jit3A_843 = arith.constant 0 : i32
          %broadcast_in_dim3A_844 = vector.broadcast %jit3A_842 : i32 to vector<16xi32>
          %broadcast_in_dim3A_845 = vector.broadcast %jit3A_843 : i32 to vector<16xi32>
          %select_n3A_846 = arith.select %eq3A_834, %broadcast_in_dim3A_844, %broadcast_in_dim3A_845 : vector<16xi1>, vector<16xi32>
          %add3A_847 = arith.addi %add3A_824, %select_n3A_846 : vector<16xi32>
          %jit3A_848 = arith.constant -3.000000e+38 : f32
          %broadcast_in_dim3A_849 = vector.broadcast %jit3A_848 : f32 to vector<16xf32>
          %select_n3A_850 = arith.select %eq3A_834, %broadcast_in_dim3A_849, %get3A_832 : vector<16xi1>, vector<16xf32>
          %max3A_851 = arith.maximumf %max3A_828, %select_n3A_850 : vector<16xf32>
          %reduce_min3A_852 = arith.constant true
          %reduce_min3A_853 = vector.broadcast %reduce_min3A_852 : i1 to vector<16xi1>
          %reduce_min3A_854 = arith.constant -2147483648 : i32
          %reduce_min3A_855 = vector.broadcast %reduce_min3A_854 : i32 to vector<16xi32>
          %reduce_min3A_856 = arith.xori %min3A_841, %reduce_min3A_855 : vector<16xi32>
          %reduce_min3A_857 = tpu.scan <min>, %reduce_min3A_856 masked %reduce_min3A_853 : vector<16xi32>, vector<16xi1> -> vector<16xi32>
          %reduce_min3A_858 = arith.xori %reduce_min3A_857, %reduce_min3A_855 : vector<16xi32>
          %reduce_min3A_859 = vector.extract %reduce_min3A_858[15] : i32 from vector<16xi32>
          %reduce_sum3A = arith.constant true
          %reduce_sum3A_860 = vector.broadcast %reduce_sum3A : i1 to vector<16xi1>
          %reduce_sum3A_861 = tpu.scan <sum>, %add3A_847 masked %reduce_sum3A_860 : vector<16xi32>, vector<16xi1> -> vector<16xi32>
          %reduce_sum3A_862 = vector.extract %reduce_sum3A_861[15] : i32 from vector<16xi32>
          %ge3A = arith.constant 2 : i32
          %ge3A_863 = arith.cmpi sge, %reduce_sum3A_862, %ge3A : i32
          %reduce_max3A_864 = arith.constant true
          %reduce_max3A_865 = vector.broadcast %reduce_max3A_864 : i1 to vector<16xi1>
          %reduce_max3A_866 = tpu.scan <max>, %max3A_851 masked %reduce_max3A_865 : vector<16xf32>, vector<16xi1> -> vector<16xf32>
          %reduce_max3A_867 = vector.extract %reduce_max3A_866[15] : f32 from vector<16xf32>
          %select_n3A_868 = arith.select %ge3A_863, %reduce_max3A_66, %reduce_max3A_867 : f32
          %broadcast_in_dim3A_869 = vector.broadcast %sub3A_47 : i32 to vector<16xi32>
          %broadcast_in_dim3A_870 = vector.broadcast %scan3A_57 : i32 to vector<16xi32>
          %broadcast_in_dim3A_871 = vector.broadcast %reduce_max3A_66 : f32 to vector<16xf32>
          tpu.vector_store_idx %arg10[%broadcast_in_dim3A_869, %broadcast_in_dim3A_870], %broadcast_in_dim3A_871 masked %eq3A_4 : memref<32x32xf32, #tpu.memory_space<vmem>>[vector<16xi32>, vector<16xi32>], vector<16xf32>, vector<16xi1>
          %broadcast_in_dim3A_872 = vector.broadcast %sub3A_47 : i32 to vector<16xi32>
          %broadcast_in_dim3A_873 = vector.broadcast %scan3A_57 : i32 to vector<16xi32>
          %mul3A_874 = arith.constant 512 : i32
          %mul3A_875 = arith.muli %reduce_min3A_86, %mul3A_874 : i32
          %add3A_876 = arith.addi %mul3A_875, %reduce_min3A_859 : i32
          %broadcast_in_dim3A_877 = vector.broadcast %add3A_876 : i32 to vector<16xi32>
          tpu.vector_store_idx %arg11[%broadcast_in_dim3A_872, %broadcast_in_dim3A_873], %broadcast_in_dim3A_877 masked %eq3A_4 : memref<32x32xi32, #tpu.memory_space<vmem>>[vector<16xi32>, vector<16xi32>], vector<16xi32>, vector<16xi1>
          %broadcast_in_dim3A_878 = vector.broadcast %rem3A_49 : i32 to vector<16xi32>
          %broadcast_in_dim3A_879 = vector.broadcast %reduce_min3A_109 : i32 to vector<16xi32>
          %broadcast_in_dim3A_880 = vector.broadcast %reduce_min3A_859 : i32 to vector<16xi32>
          %broadcast_in_dim3A_881 = arith.constant -3.000000e+38 : f32
          %broadcast_in_dim3A_882 = vector.broadcast %broadcast_in_dim3A_881 : f32 to vector<16xf32>
          tpu.vector_store_idx %arg9[%broadcast_in_dim3A_878, %broadcast_in_dim3A_879, %broadcast_in_dim3A_880], %broadcast_in_dim3A_882 masked %eq3A_4 : memref<2x32x512xf32, #tpu.memory_space<vmem>>[vector<16xi32>, vector<16xi32>, vector<16xi32>], vector<16xf32>, vector<16xi1>
          %broadcast_in_dim3A_883 = vector.broadcast %rem3A_49 : i32 to vector<16xi32>
          %broadcast_in_dim3A_884 = vector.broadcast %reduce_min3A_109 : i32 to vector<16xi32>
          %broadcast_in_dim3A_885 = vector.broadcast %select_n3A_868 : f32 to vector<16xf32>
          tpu.vector_store_idx %arg8[%broadcast_in_dim3A_883, %broadcast_in_dim3A_884], %broadcast_in_dim3A_885 masked %eq3A_4 : memref<2x32xf32, #tpu.memory_space<vmem>>[vector<16xi32>, vector<16xi32>], vector<16xf32>, vector<16xi1>
          %scan3A_886 = arith.constant 0 : i32
          scf.yield %scan3A_886 : i32
        }
        %scan3A_56 = arith.constant 25 : i32
      } else {
      }
      %scan3A_46 = arith.constant 0 : i32
      scf.yield %scan3A_46 : i32
    }
    %scan3A_22 = arith.constant 33 : i32
    "tpu.region"() ({
      %run_scoped3A = tpu.sem_alloc : memref<!tpu.dma_semaphore, #tpu.memory_space<semaphore_mem>>
      %dma_start3A_23 = arith.constant 0 : i32
      %dma_start3A_24 = tpu.memref_slice %arg4[%mul3A_2, %dma_start3A_23] : memref<1024x32xf32, #tpu.memory_space<hbm>> -> memref<32x32xf32, #tpu.memory_space<hbm>>
      %dma_start3A_25 = arith.constant 0 : i32
      %dma_start3A_26 = tpu.memref_slice %arg4[%mul3A_2, %dma_start3A_25] : memref<1024x32xf32, #tpu.memory_space<hbm>> -> memref<32x32xf32, #tpu.memory_space<hbm>>
      tpu.enqueue_dma source(%arg10 : memref<32x32xf32, #tpu.memory_space<vmem>>) target(%dma_start3A_26 : memref<32x32xf32, #tpu.memory_space<hbm>>) target_semaphore(%run_scoped3A : memref<!tpu.dma_semaphore, #tpu.memory_space<semaphore_mem>>)
      %dma_wait3A = arith.constant 0 : i32
      %dma_wait3A_27 = tpu.memref_slice %arg4[%mul3A_2, %dma_wait3A] : memref<1024x32xf32, #tpu.memory_space<hbm>> -> memref<32x32xf32, #tpu.memory_space<hbm>>
      %dma_wait3A_28 = arith.constant 0 : i32
      %dma_wait3A_29 = tpu.memref_slice %arg4[%mul3A_2, %dma_wait3A_28] : memref<1024x32xf32, #tpu.memory_space<hbm>> -> memref<32x32xf32, #tpu.memory_space<hbm>>
      tpu.wait_dma2 semaphore(%run_scoped3A : memref<!tpu.dma_semaphore, #tpu.memory_space<semaphore_mem>>) src(%arg10 : memref<32x32xf32, #tpu.memory_space<vmem>>) dst(%dma_wait3A_29 : memref<32x32xf32, #tpu.memory_space<hbm>>)
      tpu.yield
    }) : () -> ()
    "tpu.region"() ({
      %run_scoped3A = tpu.sem_alloc : memref<!tpu.dma_semaphore, #tpu.memory_space<semaphore_mem>>
      %dma_start3A_23 = arith.constant 0 : i32
      %dma_start3A_24 = tpu.memref_slice %arg5[%mul3A_2, %dma_start3A_23] : memref<1024x32xi32, #tpu.memory_space<hbm>> -> memref<32x32xi32, #tpu.memory_space<hbm>>
      %dma_start3A_25 = arith.constant 0 : i32
      %dma_start3A_26 = tpu.memref_slice %arg5[%mul3A_2, %dma_start3A_25] : memref<1024x32xi32, #tpu.memory_space<hbm>> -> memref<32x32xi32, #tpu.memory_space<hbm>>
      tpu.enqueue_dma source(%arg11 : memref<32x32xi32, #tpu.memory_space<vmem>>) target(%dma_start3A_26 : memref<32x32xi32, #tpu.memory_space<hbm>>) target_semaphore(%run_scoped3A : memref<!tpu.dma_semaphore, #tpu.memory_space<semaphore_mem>>)
      %dma_wait3A = arith.constant 0 : i32
      %dma_wait3A_27 = tpu.memref_slice %arg5[%mul3A_2, %dma_wait3A] : memref<1024x32xi32, #tpu.memory_space<hbm>> -> memref<32x32xi32, #tpu.memory_space<hbm>>
      %dma_wait3A_28 = arith.constant 0 : i32
      %dma_wait3A_29 = tpu.memref_slice %arg5[%mul3A_2, %dma_wait3A_28] : memref<1024x32xi32, #tpu.memory_space<hbm>> -> memref<32x32xi32, #tpu.memory_space<hbm>>
      tpu.wait_dma2 semaphore(%run_scoped3A : memref<!tpu.dma_semaphore, #tpu.memory_space<semaphore_mem>>) src(%arg11 : memref<32x32xi32, #tpu.memory_space<vmem>>) dst(%dma_wait3A_29 : memref<32x32xi32, #tpu.memory_space<hbm>>)
      tpu.yield
    }) : () -> ()
    return
  }
}

module attributes {stable_mosaic.version = 14 : i64} {
  func.func @_k1_body(%arg0: i32, %arg1: memref<1024x128xf32, #tpu.memory_space<vmem>>, %arg2: memref<1024x128xf32, #tpu.memory_space<vmem>>, %arg3: memref<512x128xf32, #tpu.memory_space<vmem>>, %arg4: memref<1x1x512xf32, #tpu.memory_space<vmem>>, %arg5: memref<1x1024x512xf32, #tpu.memory_space<vmem>>, %arg6: memref<1024x256xf32, #tpu.memory_space<vmem>>, %arg7: memref<1024x128xf32, #tpu.memory_space<vmem>>) attributes {dimension_semantics = [#tpu.dimension_semantics<arbitrary>], iteration_bounds = array<i64: 196>, scalar_prefetch = 0 : i64, scratch_operands = 1 : i64, tpu.core_type = #tpu.core_type<tc>, window_params = [{pipeline_mode = #tpu.pipeline_mode<synchronous>, transform_indices = @transform_0, window_bounds = array<i64: 1024, 128>}, {pipeline_mode = #tpu.pipeline_mode<synchronous>, transform_indices = @transform_1, window_bounds = array<i64: 1024, 128>}, {transform_indices = @transform_2, window_bounds = array<i64: 512, 128>}, {transform_indices = @transform_3, window_bounds = array<i64: 1, 1, 512>}, {transform_indices = @transform_4, window_bounds = array<i64: 1, 1024, 512>}, {pipeline_mode = #tpu.pipeline_mode<synchronous>, transform_indices = @transform_5, window_bounds = array<i64: 1024, 256>}]} {
    %eq3A = arith.constant 0 : i32
    %eq3A_0 = arith.cmpi eq, %arg0, %eq3A : i32
    %convert_element_type3A = arith.extui %eq3A_0 : i1 to i32
    %cond3A = arith.constant 0 : i32
    %cond3A_1 = arith.cmpi ne, %convert_element_type3A, %cond3A : i32
    scf.if %cond3A_1 {
      %get3A_38 = arith.constant 0 : index
      %get3A_39 = arith.constant 0 : index
      %get3A_40 = vector.load %arg1[%get3A_38, %get3A_39] : memref<1024x128xf32, #tpu.memory_space<vmem>>, vector<1024x128xf32>
      %get3A_41 = arith.constant 0 : index
      %get3A_42 = arith.constant 0 : index
      %get3A_43 = vector.load %arg2[%get3A_41, %get3A_42] : memref<1024x128xf32, #tpu.memory_space<vmem>>, vector<1024x128xf32>
      %sqrt3A_44 = math.sqrt %get3A_43 : vector<1024x128xf32>
      %max3A_45 = arith.constant 9.99999993E-9 : f32
      %max3A_46 = vector.broadcast %max3A_45 : f32 to vector<1024x128xf32>
      %max3A_47 = arith.maximumf %sqrt3A_44, %max3A_46 : vector<1024x128xf32>
      %div3A_48 = arith.divf %get3A_40, %max3A_47 : vector<1024x128xf32>
      %swap3A_49 = arith.constant 0 : index
      %swap3A_50 = arith.constant 0 : index
      %swap3A_51 = vector.load %arg7[%swap3A_49, %swap3A_50] : memref<1024x128xf32, #tpu.memory_space<vmem>>, vector<1024x128xf32>
      tpu.vector_store %arg7[%swap3A_49, %swap3A_50], %div3A_48 {strides = array<i32>} : memref<1024x128xf32, #tpu.memory_space<vmem>>, vector<1024x128xf32>,
      %broadcast_in_dim3A_52 = arith.constant -3.000000e+38 : f32
      %broadcast_in_dim3A_53 = vector.broadcast %broadcast_in_dim3A_52 : f32 to vector<1024x256xf32>
      %swap3A_54 = arith.constant 0 : index
      %swap3A_55 = arith.constant 0 : index
      %swap3A_56 = vector.load %arg6[%swap3A_54, %swap3A_55] : memref<1024x256xf32, #tpu.memory_space<vmem>>, vector<1024x256xf32>
      tpu.vector_store %arg6[%swap3A_54, %swap3A_55], %broadcast_in_dim3A_53 {strides = array<i32>} : memref<1024x256xf32, #tpu.memory_space<vmem>>, vector<1024x256xf32>,
    } else {
    }
    %get3A = arith.constant 0 : index
    %get3A_2 = arith.constant 0 : index
    %get3A_3 = vector.load %arg3[%get3A, %get3A_2] : memref<512x128xf32, #tpu.memory_space<vmem>>, vector<512x128xf32>
    %get3A_4 = arith.constant 0 : index
    %get3A_5 = arith.constant 0 : index
    %get3A_6 = arith.constant 0 : index
    %get3A_7 = vector.load %arg4[%get3A_4, %get3A_5, %get3A_6] : memref<1x1x512xf32, #tpu.memory_space<vmem>>, vector<1x1x512xf32>
    %reshape3A = vector.shape_cast %get3A_7 : vector<1x1x512xf32> to vector<1x512xf32>
    %sqrt3A = math.sqrt %reshape3A : vector<1x512xf32>
    %reshape3A_8 = vector.shape_cast %sqrt3A : vector<1x512xf32> to vector<512x1xf32>
    %max3A = arith.constant 9.99999993E-9 : f32
    %max3A_9 = vector.broadcast %max3A : f32 to vector<512x1xf32>
    %max3A_10 = arith.maximumf %reshape3A_8, %max3A_9 : vector<512x1xf32>
    %div3A = vector.broadcast %max3A_10 : vector<512x1xf32> to vector<512x128xf32>
    %div3A_11 = arith.divf %get3A_3, %div3A : vector<512x128xf32>
    %get3A_12 = arith.constant 0 : index
    %get3A_13 = arith.constant 0 : index
    %get3A_14 = vector.load %arg7[%get3A_12, %get3A_13] : memref<1024x128xf32, #tpu.memory_space<vmem>>, vector<1024x128xf32>
    %dot_general3A = arith.constant dense<0.000000e+00> : vector<1024x512xf32>
    %dot_general3A_15 = tpu.matmul %get3A_14, %div3A_11, %dot_general3A {dimension_numbers = #tpu.dot_dimension_numbers<[1], [1], [0], [0], [0, 0, 1, 0], [], []>, transpose_lhs_hint = false} : vector<1024x128xf32>, vector<512x128xf32>, vector<1024x512xf32> -> vector<1024x512xf32>
    %mul3A = arith.constant 512 : i32
    %mul3A_16 = arith.muli %arg0, %mul3A : i32
    %iota3A = tpu.iota {dimensions = array<i32: 1>} : vector<1024x512xi32>
    %add3A = vector.broadcast %mul3A_16 : i32 to vector<1024x512xi32>
    %add3A_17 = arith.addi %add3A, %iota3A : vector<1024x512xi32>
    %lt3A = arith.constant 100000 : i32
    %lt3A_18 = vector.broadcast %lt3A : i32 to vector<1024x512xi32>
    %lt3A_19 = arith.cmpi slt, %add3A_17, %lt3A_18 : vector<1024x512xi32>
    %jit3A = arith.constant -3.000000e+38 : f32
    %broadcast_in_dim3A = vector.broadcast %jit3A : f32 to vector<1024x512xf32>
    %select_n3A = arith.select %lt3A_19, %dot_general3A_15, %broadcast_in_dim3A : vector<1024x512xi1>, vector<1024x512xf32>
    %reshape3A_20 = vector.shape_cast %select_n3A : vector<1024x512xf32> to vector<1x1024x512xf32>
    %swap3A = arith.constant 0 : index
    %swap3A_21 = arith.constant 0 : index
    %swap3A_22 = arith.constant 0 : index
    %swap3A_23 = vector.load %arg5[%swap3A, %swap3A_21, %swap3A_22] : memref<1x1024x512xf32, #tpu.memory_space<vmem>>, vector<1x1024x512xf32>
    tpu.vector_store %arg5[%swap3A, %swap3A_21, %swap3A_22], %reshape3A_20 {strides = array<i32>} : memref<1x1024x512xf32, #tpu.memory_space<vmem>>, vector<1x1024x512xf32>,
    %reduce_max3A = arith.constant dense<0xFF800000> : vector<1024xf32>
    %reduce_max3A_24 = vector.multi_reduction <maximumf>, %select_n3A, %reduce_max3A [1] : vector<1024x512xf32> to vector<1024xf32>
    %broadcast_in_dim3A_25 = vector.shape_cast %reduce_max3A_24 : vector<1024xf32> to vector<1024x1xf32>
    %iota3A_26 = tpu.iota {dimensions = array<i32: 1>} : vector<1024x256xi32>
    %eq3A_27 = vector.broadcast %arg0 : i32 to vector<1024x256xi32>
    %eq3A_28 = arith.cmpi eq, %iota3A_26, %eq3A_27 : vector<1024x256xi32>
    %get3A_29 = arith.constant 0 : index
    %get3A_30 = arith.constant 0 : index
    %get3A_31 = vector.load %arg6[%get3A_29, %get3A_30] : memref<1024x256xf32, #tpu.memory_space<vmem>>, vector<1024x256xf32>
    %broadcast_in_dim3A_32 = vector.shape_cast %broadcast_in_dim3A_25 : vector<1024x1xf32> to vector<1024x1xf32>
    %broadcast_in_dim3A_33 = vector.broadcast %broadcast_in_dim3A_32 : vector<1024x1xf32> to vector<1024x256xf32>
    %select_n3A_34 = arith.select %eq3A_28, %broadcast_in_dim3A_33, %get3A_31 : vector<1024x256xi1>, vector<1024x256xf32>
    %swap3A_35 = arith.constant 0 : index
    %swap3A_36 = arith.constant 0 : index
    %swap3A_37 = vector.load %arg6[%swap3A_35, %swap3A_36] : memref<1024x256xf32, #tpu.memory_space<vmem>>, vector<1024x256xf32>
    tpu.vector_store %arg6[%swap3A_35, %swap3A_36], %select_n3A_34 {strides = array<i32>} : memref<1024x256xf32, #tpu.memory_space<vmem>>, vector<1024x256xf32>,
    return
  }
  func.func @transform_0(%arg0: i32) -> (i32, i32) {
    %c0_i32 = arith.constant 0 : i32
    %c0_i32_0 = arith.constant 0 : i32
    %c0_i32_1 = arith.constant 0 : i32
    return %c0_i32, %c0_i32_0 : i32, i32
  }
  func.func @transform_1(%arg0: i32) -> (i32, i32) {
    %c0_i32 = arith.constant 0 : i32
    %c0_i32_0 = arith.constant 0 : i32
    %c0_i32_1 = arith.constant 0 : i32
    return %c0_i32, %c0_i32_0 : i32, i32
  }
  func.func @transform_2(%arg0: i32) -> (i32, i32) {
    %c0_i32 = arith.constant 0 : i32
    %c0_i32_0 = arith.constant 0 : i32
    return %arg0, %c0_i32 : i32, i32
  }
  func.func @transform_3(%arg0: i32) -> (i32, i32, i32) {
    %c0_i32 = arith.constant 0 : i32
    %c0_i32_0 = arith.constant 0 : i32
    %c0_i32_1 = arith.constant 0 : i32
    return %arg0, %c0_i32, %c0_i32_0 : i32, i32, i32
  }
  func.func @transform_4(%arg0: i32) -> (i32, i32, i32) {
    %c0_i32 = arith.constant 0 : i32
    %c0_i32_0 = arith.constant 0 : i32
    %c0_i32_1 = arith.constant 0 : i32
    return %arg0, %c0_i32, %c0_i32_0 : i32, i32, i32
  }
  func.func @transform_5(%arg0: i32) -> (i32, i32) {
    %c0_i32 = arith.constant 0 : i32
    %c0_i32_0 = arith.constant 0 : i32
    %c0_i32_1 = arith.constant 0 : i32
    return %c0_i32, %c0_i32_0 : i32, i32
  }
}

</mosaic_0001>

<sc_bundles>
// kernel: kernel.4.cloned.1.call-start
scs
__scs_entry_jumppad:
0x0: {  	(pc) =	sbr.rel $0x88, $3  }
0x1: {  	(tag) =	ssettag $0x0;
	lr =	simm.s32 $0x1  }
0x2: {  	[smem:$0x3F9F] =	sst lr;
	_ =	strace $0xD0000000  }
0x3: {  	_ = 	snop  }
0x4: {  	_ = 	snop  }
0x5: {  	_ = 	snop  }
0x6: {  	_ = 	snop  }
0x7: {  	_ = 	snop  }
__scs_overlays_trampoline_lowered:
0x8: {  	[smem:$0x3FAE] =	sst s0  }
0x9: {  	[smem:$0x3FAF] =	sst s1  }
0xa: {  	[smem:$0x3FB0] =	sst s2  }
0xb: {  	[smem:$0x3FB1] =	sst s3  }
0xc: {  	[smem:$0x3FB2] =	sst s4  }
0xd: {  	[smem:$0x3FB3] =	sst s5  }
0xe: {  	[smem:$0x3FB4] =	sst s6  }
0xf: {  	[smem:$0x3FB5] =	sst s7  }
0x10: {  	[smem:$0x3FB6] =	sst s8  }
0x11: {  	[smem:$0x3FB7] =	sst s9;
	s0 =	simm.s32 @!p0 $0x0  }
0x12: {  	s1 =	sld [smem:$0x3F9D];
	s0 =	simm.s32 @p0 $0x1  }
0x13: {  	[smem:$0x3FB8] =	sst s0;
	s0 =	simm.s32 @!p1 $0x0  }
0x14: {  	s2 =	sld [smem:$0x3F9C];
	s0 =	simm.s32 @p1 $0x1  }
0x15: {  	[smem:$0x3FB9] =	sst s0;
	s0 =	simm.s32 @!p2 $0x0  }
0x16: {  	s3 =	sld [smem:$0x3FDB];
	s0 =	simm.s32 @p2 $0x1  }
0x17: {  	s4 =	simm.s32 $0x1BF5;
	[smem:$0x3FBB] =	sst s0  }
0x18: {  	s0 =	sld [smem:$0x3F9E];
	_ =	swait.ge [sflag:s4], $0x0  }
0x19: {  	s7 =	sld [smem:$0x3F9F]  }
0x1a: {  	s8 =	sadd.s32 $0xFFFFE003, lr  }
0x1b: {  	s9 =	sadd.s32 $0xFFFFFEF7, lr;
	s5 =	simm.s32 $0xFFFFFFFF;
	p2 =	slt.u32 s8, $0xFFFFF086  }
0x1c: {  	p1 =	slt.u32 s9, $0xF7A;
	s5 =	simm.s32 @!p2 $0x0  }
0x1d: {  	s5 =	simm.s32 @p1 $0x1;
	p0 =	seq.s32 s7, s2  }
0x1e: {  	s7 =	smul.u32 @!p0 $0xF7A, s2;
	p2 =	seq.s32 @!p0 s5, $0x0  }
0x1f: {  	s9 =	smul.u32 $0xF7A, s1;
	s8 =	simm.s32 @!p0 $0x1BF5;
	p2 =	por !p2, p0  }
0x20: {  	[sflag:s8] =	ssyncset.s32 @!p0 $0xFFFFF086;
	s6 =	sadd.s32 @!p0 s3, s7;
	s7 =	simm.s32 @!p0 $0x108  }
0x21: {  	s3 =	sadd.s32 s3, s9;
	s6 =	sadd.s32 @!p0 $0x88, s6;
	s7 =	simm.s32 @p2 $0x1082  }
0x22: {  	[simem:s7], [sflag:s8] =	dma.local @!p0 [hbm:s6], $0xF7A  }
0x23: {  	s9 =	sor.u32 $0xD0000000, s2;
	s6 =	simm.s32 $0x108;
	_ =	swait.ge @!p0 [sflag:s8], $0x0  }
0x24: {  	s3 =	sadd.s32 $0x88, s3;
	s6 =	simm.s32 @!p1 $0x1082;
	[sflag:s4] =	ssyncset.s32 $0xFFFFF086  }
0x25: {  	[simem:s6], [sflag:s4] =	dma.local [hbm:s3], $0xF7A  }
0x26: {  	[smem:$0x3F9F] =	sst s1;
	(tag) =	ssettag s2;
	_ =	strace s9  }
0x27: {  	s1 =	sld [smem:$0x3FAF]  }
0x28: {  	s2 =	sld [smem:$0x3FB0]  }
0x29: {  	s4 =	sld [smem:$0x3FB2]  }
0x2a: {  	p0 =	seq.s32 s5, $0x0;
	s5 =	sld [smem:$0x3FB3]  }
0x2b: {  	s6 =	sld [smem:$0x3FB4]  }
0x2c: {  	s7 =	sld [smem:$0x3FB5]  }
0x2d: {  	s3 =	simm.s32 $0x108;
	s8 =	sld [smem:$0x3FB6]  }
0x2e: {  	s3 =	simm.s32 @!p0 $0x1082;
	s9 =	sld [smem:$0x3FB7]  }
0x2f: {  	lr =	sadd.s32 s0, s3;
	s0 =	sld [smem:$0x3FAE]  }
0x30: {  	s3 =	sld [smem:$0x3FB1]  }
0x31: {  	[smem:$0x3FBA] =	sst s10  }
0x32: {  	s10 =	sld [smem:$0x3FB8];
	_ =	sdelay $0x3  }
0x33: {  	p0 =	seq.s32 s10, $0x1;
	s10 =	sld [smem:$0x3FBA];
	_ =	sdelay $0x3  }
0x34: {  	[smem:$0x3FBA] =	sst s10  }
0x35: {  	s10 =	sld [smem:$0x3FB9];
	_ =	sdelay $0x3  }
0x36: {  	p1 =	seq.s32 s10, $0x1;
	s10 =	sld [smem:$0x3FBA];
	_ =	sdelay $0x3  }
0x37: {  	[smem:$0x3FBA] =	sst s10  }
0x38: {  	s10 =	sld [smem:$0x3FBB]  }
0x39: {  	_ = 	snop;
	(pc) =	sbr.ind lr, $3  }
0x3a: {  	_ = 	snop  }
0x3b: {  	_ = 	snop  }
0x3c: {  	p2 =	seq.s32 s10, $0x1;
	s10 =	sld [smem:$0x3FBA]  }
0x3d: {  	_ =	shalt  }
0x3e: {  	_ =	shalt  }
0x3f: {  	_ =	shalt  }
0x40: {  	_ =	shalt  }
0x41: {  	_ =	shalt  }
0x42: {  	_ =	shalt  }
0x43: {  	_ =	shalt  }
0x44: {  	_ =	shalt  }
0x45: {  	_ =	shalt  }
0x46: {  	_ =	shalt  }
0x47: {  	_ =	shalt  }
0x48: {  	_ =	shalt  }
0x49: {  	_ =	shalt  }
0x4a: {  	_ =	shalt  }
0x4b: {  	_ =	shalt  }
0x4c: {  	_ =	shalt  }
0x4d: {  	_ =	shalt  }
0x4e: {  	_ =	shalt  }
0x4f: {  	_ =	shalt  }
0x50: {  	_ =	shalt  }
0x51: {  	_ =	shalt  }
0x52: {  	_ =	shalt  }
0x53: {  	_ =	shalt  }
0x54: {  	_ =	shalt  }
0x55: {  	_ =	shalt  }
0x56: {  	_ =	shalt  }
0x57: {  	_ =	shalt  }
0x58: {  	_ =	shalt  }
0x59: {  	_ =	shalt  }
0x5a: {  	_ =	shalt  }
0x5b: {  	_ =	shalt  }
0x5c: {  	_ =	shalt  }
0x5d: {  	_ =	shalt  }
0x5e: {  	_ =	shalt  }
0x5f: {  	_ =	shalt  }
0x60: {  	_ =	shalt  }
0x61: {  	_ =	shalt  }
0x62: {  	_ =	shalt  }
0x63: {  	_ =	shalt  }
0x64: {  	_ =	shalt  }
0x65: {  	_ =	shalt  }
0x66: {  	_ =	shalt  }
0x67: {  	_ =	shalt  }
0x68: {  	_ =	shalt  }
0x69: {  	_ =	shalt  }
0x6a: {  	_ =	shalt  }
0x6b: {  	_ =	shalt  }
0x6c: {  	_ =	shalt  }
0x6d: {  	_ =	shalt  }
0x6e: {  	_ =	shalt  }
0x6f: {  	_ =	shalt  }
0x70: {  	_ =	shalt  }
0x71: {  	_ =	shalt  }
0x72: {  	_ =	shalt  }
0x73: {  	_ =	shalt  }
0x74: {  	_ =	shalt  }
0x75: {  	_ =	shalt  }
0x76: {  	_ =	shalt  }
0x77: {  	_ =	shalt  }
0x78: {  	_ =	shalt  }
0x79: {  	_ =	shalt  }
0x7a: {  	_ =	shalt  }
0x7b: {  	_ =	shalt  }
0x7c: {  	_ =	shalt  }
0x7d: {  	_ =	shalt  }
0x7e: {  	_ =	shalt  }
0x7f: {  	_ =	shalt  }
0x80: {  	_ =	shalt  }
0x81: {  	_ =	shalt  }
0x82: {  	_ =	shalt  }
0x83: {  	_ =	shalt  }
0x84: {  	_ =	shalt  }
0x85: {  	_ =	shalt  }
0x86: {  	_ =	shalt  }
0x87: {  	_ =	shalt  }
.Lfunc_end0:
.L_simem_size_0:
called_computation_lowered:
.L_overlay_start_0:
0x88: {  	s2 =	sld [smem:$0x3FD9]  }
0x89: {  	s3 =	sld [smem:$0x3FFE];
	_ =	sdelay $0x1  }
0x8a: {  	s1 =	srdreg.scid  }
0x8b: {  	s0 =	sand.u32 $0x1, s1  }
0x8c: {  	s16 =	sshll.u32 s0, $0xA;
	s2 =	sadd.s32 s3, s2  }
0x8d: {  	s2 =	sadd.s32 s2, s16  }
0x8e: {  	[smem:$0x3FC6] =	sst s2  }
0x8f: {  	_ = 	snop  }
0x90: {  	(tm) =	ssettm $0x1  }
0x91: {  	s17 =	sld [smem:$0x3FFB];
	_ =	sdelay $0x3  }
0x92: {  	_ =	strace s17  }
0x93: {  	s2 =	sld [smem:$0x3FFC];
	_ =	sdelay $0x3  }
0x94: {  	_ =	strace s2  }
0x95: {  	s2 =	sld [smem:$0x3FFD];
	_ =	sdelay $0x3  }
0x96: {  	_ =	strace s2  }
0x97: {  	_ =	strace $0x8FFFFFFF  }
0x98: {  	s18 =	sld [smem:$0x3FDB];
	_ =	sdelay $0x1  }
0x99: {  	s19 =	simm.s32 $_scs_section_size  }
0x9a: {  	s4 =	simm.s32 $_size__tile_overlayer_lowered;
	s5 =	simm.s32 $_tile_overlayer_lowered  }
0x9b: {  	s22 =	simm.s32 $0x1BFF;
	s21 =	sshll.u32 s5, $0x1;
	s2 =	sadd.s32 s19, s18  }
0x9c: {  	s6 =	simm.s32 $0x0;
	s20 =	sshll.u32 s4, $0x1;
	s4 =	sadd.s32 s21, s2  }
0x9d: {  	[timem:s6], [sflag:s22] =	dma.local [hbm:s4], s20  }
0x9e: {  	_ =	swait.ge [sflag:s22], s20  }
0x9f: {  	s3 =	ssub.s32 $0x0, s20;
	[sflag:s22] =	ssyncset.done $0x0  }
0xa0: {  	[sflag:s22] =	ssyncadd.s32 s3;
	_ =	sdelay $0x1  }
0xa1: {  	s23 =	simm.s32 $0x1B8B  }
0xa2: {  	_ =	swait.ge [sflag:s23], $0x1  }
0xa3: {  	[sflag:s23] =	ssyncset.done $0x0  }
0xa4: {  	s25 =	simm.s32 $0x1B8E;
	s24 =	sld [smem:$0x3FFE];
	[sflag:s23] =	ssyncadd.s32 $0xFFFFFFFF  }
0xa5: {  	s26 =	simm.s32 $execute0_lowered;
	[smem:$0x3FD2] =	sst s25  }
0xa6: {  	s4 =	sshll.u32 s26, $0x1;
	_ =	strace $0x80000046;
	[dreg:$0x1] =	wrdreg $0xFFFFFFFF  }
0xa7: {  	s28 =	simm.s32 $_size_execute0_lowered;
	s2 =	sadd.s32 s2, s4;
	[dreg:$0x0] =	wrdreg $0x0  }
0xa8: {  	s4 =	sshll.u32 s28, $0x1;
	[dreg:$0x2] =	wrdreg s2  }
0xa9: {  	[dreg:$0x3] =	wrdreg s4  }
0xaa: {  	[dreg:$0x4] =	wrdreg $0xC0  }
0xab: {  	_ =	task [dreg:s6], $0x5FFFF  }
0xac: {  	[dreg:$0x1] =	wrdreg $0xFFFFFFFF  }
0xad: {  	[dreg:$0x0] =	wrdreg $0x60  }
0xae: {  	[dreg:$0x2] =	wrdreg s24  }
0xaf: {  	[dreg:$0x3] =	wrdreg $0x9  }
0xb0: {  	_ =	task.clear_ibuf [dreg:s6], $0x4FFFF;
	_ =	strace $0x90000046  }
0xb1: {  	s29 =	simm.s32 $0x9;
	_ =	strace $0x80000048  }
0xb2: {  	_ =	swait.ge [sflag:s29], $0x1  }
0xb3: {  	[sflag:s29] =	ssyncadd.s32 $0xFFFFFFFF  }
0xb4: {  	_ =	strace $0x90000048  }
0xb5: {  	_ =	sfence  }
0xb6: {  	s30 =	sld [smem:$0x0];
	_ =	sdelay $0x2  }
0xb7: {  	s31 =	sshll.u32 s1, $0xD;
	s1 =	sshrl.u32 s1, $0x2  }
0xb8: {  	s3 =	sand.u32 $0x4000, s31;
	s1 =	sadd.s32 s1, s30  }
0xb9: {  	s0 =	sor.u32 s3, s0;
	s1 =	sshll.u32 s1, $0x11  }
0xba: {  	s0 =	sor.u32 s1, s0  }
0xbb: {  	s0 =	sadd.s32 $0x8F2B, s0  }
0xbc: {  	[sflag:s0] =	ssyncadd.remote.s32 $0x1  }
0xbd: {  	_ =	sfence.sel $0xFFFF  }
0xbe: {  	[dreg:$0x0] =	wrdreg $0xFFFFFFFF;
	(pc) =	sbr.abs _section_cstart, $3  }
0xbf: {  	[dreg:$0x1] =	wrdreg $0xFFFFFFFF  }
0xc0: {  	_ =	task.clear_ibuf [dreg:s6], $0x2FFFF;
	_ =	strace $0x9FFFFFFF  }
0xc1: {  	(tm) =	ssettm $0x7FFFFFFF  }
tec
execute0_lowered:
.L_overlay_start_1:
0x0: {  	(tag) =	ssettag $0x1  }
0x1: {  	s0 =	rddreg [dreg:$0x0];
	s2 =	simm.s32 $0x0;
	s14 =	simm.s32 $0x8400  }
0x2: {  	v0 =	vlaneseq.u32;
	v5 =	vimm.f32 $-3.000000010e+38;
	s15 =	simm.s32 $0x9400;
	s16 =	simm.s32 $0x400;
	s17 =	simm.s32 $0x300  }
0x3: {  	s20 =	simm.s32 $0x200;
	[smem:$0x7FF] =	sst s2;
	s5 =	sadd.s32 $0xC40400, s0;
	v1 =	vor.u32 $0x80000010, v0  }
0x4: {  	v6 =	vor.u32 $0x800001F0, v0;
	v7 =	vor.u32 $0x800001E0, v0;
	v8 =	vor.u32 $0x800001D0, v0  }
0x5: {  	v9 =	vor.u32 $0x800001C0, v0;
	v10 =	vor.u32 $0x800001B0, v0;
	v11 =	vor.u32 $0x800001A0, v0  }
0x6: {  	v12 =	vor.u32 $0x80000190, v0;
	v13 =	vor.u32 $0x80000180, v0;
	v14 =	vor.u32 $0x80000170, v0  }
0x7: {  	v15 =	vor.u32 $0x80000160, v0;
	v16 =	vor.u32 $0x80000150, v0;
	v17 =	vor.u32 $0x80000140, v0  }
0x8: {  	v18 =	vor.u32 $0x80000130, v0;
	v19 =	vor.u32 $0x80000120, v0;
	v20 =	vor.u32 $0x80000110, v0  }
0x9: {  	v26 =	vor.u32 $0x80000020, v0;
	_ =	strace $0x80000047;
	[tilespmem:$0x1FF60] =	vst v7  }
0xa: {  	v21 =	vor.u32 $0x80000100, v0;
	v24 =	vor.u32 $0x800000B0, v0;
	[tilespmem:$0x1FF70] =	vst v26  }
0xb: {  	s1 =	srdreg.scid;
	s3 =	stileid.u32;
	s13 =	simm.s32 $0x1;
	v22 =	vor.u32 $0x800000F0, v0;
	v25 =	vor.u32 $0x800000A0, v0;
	[tilespmem:$0x1FF80] =	vst v24  }
0xc: {  	s18 =	simm.s32 $0x3;
	s19 =	simm.s32 $0x2;
	s1 =	sand.u32 $0x1, s1;
	v3 =	vor.u32 $0x800000E0, v0;
	v4 =	vor.u32 $0x800000D0, v0;
	[tilespmem:$0x1FF90] =	vst v25  }
0xd: {  	s21 =	simm.s32 $0x0;
	s3 =	sshll.u32 s3, $0x6;
	v23 =	vor.u32 $0x800000C0, v0;
	v29 =	vor.u32 $0x80000050, v0;
	s4 =	sshll.u32 s1, $0x5;
	[tilespmem:$0x1FFA0] =	vst v6  }
.Ltmp0:
0xe: {  	s8 =	sadd.s32 $0x500, s0;
	v34 =	vor.u32 $0x80000090, v0;
	[tilespmem:$0x1FFB0] =	vst v29;
	s3 =	sor.u32 s4, s3;
	(pc) =	sbr.rel .LBB2_1-.Ltmp0, $4  }
0xf: {  	v27 =	vor.u32 $0x80000080, v0;
	s31 =	ssub.s32 $0x2, s1;
	[tilespmem:$0x1FFC0] =	vst v34;
	s4 =	sadd.s32 $0x400, s0;
	s6 =	sshll.u32 s3, $0x4  }
0x10: {  	v28 =	vor.u32 $0x80000070, v0;
	v30 =	vor.u32 $0x80000060, v0;
	[tilespmem:$0x1FFD0] =	vst v3;
	s1 =	sshrl.u32 s31, $0x1;
	s9 =	sshll.u32 s3, $0x5;
	s7 =	sadd.s32 s6, s0  }
0x11: {  	v33 =	vor.u32 $0x80000040, v0;
	[tilespmem:$0x1FFE0] =	vst v4;
	s0 =	ssub.s32 s31, s1;
	s9 =	sadd.s32 s5, s9;
	s6 =	sadd.s32 $0xC48400, s7  }
0x12: {  	v32 =	vimm.s32 $0x0;
	v2 =	vor.u32 $0x80000000, v0;
	v31 =	vor.u32 $0x80000030, v0;
	[tilespmem:$0x1FFF0] =	vst v23;
	s7 =	sadd.s32 $0xC4C400, s7;
	s10 =	smax.u32 s0, $0x1;
	s11 =	sadd.s32 $0x80, s9  }
.LBB2_11:
0x13: {  	[hbm4b:s6+s2] =	stream.linear.scatter [tilespmem:s14], [sflag:$0x3], $0x1000, $0x38;
	[tilespmem:$0xA400] =	vst v63  }
0x14: {  	s21 =	sadd.s32 $0x1, s21;
	_ =	swait.ge [sflag:s18], $0x1000  }
0x15: {  	p0 =	sne.s32 s21, s10;
	[sflag:s18] =	ssyncset.done $0x0  }
.Ltmp1:
0x16: {  	[sflag:s18] =	ssyncadd.s32 $0xFFFFF000;
	(pc) =	sbr.rel @!p0 .LBB2_12-.Ltmp1, $4  }
0x17: {  	[hbm4b:s7+s2] =	stream.linear.scatter [tilespmem:s15], [sflag:$0x3], $0x1000, $0x38;
	[tilespmem:$0xA400] =	vst v63  }
0x18: {  	_ =	swait.ge [sflag:s18], $0x1000  }
0x19: {  	[sflag:s18] =	ssyncset.done $0x0  }
0x1a: {  	[sflag:s18] =	ssyncadd.s32 $0xFFFFF000  }
.LBB2_1:
.Ltmp2:
0x1b: {  	(pc) =	sbr.rel .LBB2_2-.Ltmp2, $4  }
0x1c: {  	_ = 	snop  }
0x1d: {  	[tilespmem:s2], [sflag:$0x2] =	stream.linear.gather [hbm4b:s9+s2], $0x80, $0x38;
	[tilespmem:$0xA400] =	vst v63  }
0x1e: {  	s0 =	simm.s32 $0x100;
	s23 =	simm.s32 $0x0  }
0x1f: {  	[tilespmem:s0], [sflag:$0x2] =	stream.linear.gather [hbm4b:s11+s2], $0x80, $0x38;
	[tilespmem:$0xA400] =	vst v63  }
.LBB2_10:
0x20: {  	p0 =	sne.s32 s22, $0x21  }
.Ltmp3:
0x21: {  	_ = 	snop;
	(pc) =	sbr.rel @!p0 .LBB2_11-.Ltmp3, $2  }
0x22: {  	_ =	sdelay $0x2  }
0x23: {  	s23 =	smov.u32 s22  }
.LBB2_2:
0x24: {  	p0 =	sne.s32 s23, $0x20  }
.Ltmp4:
0x25: {  	_ = 	snop;
	(pc) =	sbr.rel @p0 .LBB2_4-.Ltmp4, $2  }
0x26: {  	_ =	sdelay $0x2  }
0x27: {  	s22 =	sadd.s32 $0x1, s23  }
.Ltmp5:
0x28: {  	(pc) =	sbr.rel .LBB2_7-.Ltmp5, $4  }
0x29: {  	_ = 	snop  }
0x2a: {  	_ =	swait.ge [sflag:s13], $0x4000  }
0x2b: {  	[sflag:s13] =	ssyncset.done $0x0  }
0x2c: {  	[sflag:s13] =	ssyncadd.s32 $0xFFFFC000  }
.LBB2_4:
0x2d: {  	p0 =	sgt.u32 s23, $0x1E  }
0x2e: {  	s0 =	sor.u32 @!p0 s3, s23  }
0x2f: {  	_ =	swait.ge [sflag:s19], $0x100;
	s0 =	sadd.s32 @!p0 $0x1, s0  }
0x30: {  	[sflag:s19] =	ssyncset.done $0x0;
	s1 =	sshll.u32 @!p0 s0, $0x4  }
0x31: {  	s24 =	sshll.u32 @!p0 s22, $0x7;
	s0 =	sshll.u32 @!p0 s0, $0x5;
	s1 =	sand.u32 @!p0 $0x70, s1  }
0x32: {  	[sflag:s19] =	ssyncadd.s32 $0xFFFFFF00;
	s0 =	sand.u32 @!p0 $0xFFFFF00, s0;
	s1 =	sadd.s32 @!p0 s5, s1  }
0x33: {  	s24 =	sand.u32 @!p0 $0x80, s24;
	s0 =	sadd.s32 @!p0 s0, s1;
	s1 =	simm.s32 @!p0 $0x0  }
0x34: {  	[tilespmem:s24], [sflag:$0x2] =	stream.linear.gather @!p0 [hbm4b:s0+s1], $0x80, $0x38;
	[tilespmem:$0xA400] =	vst v63  }
0x35: {  	s0 =	sadd.s32 @!p0 $0x80, s0;
	s24 =	sor.u32 @!p0 $0x100, s24  }
0x36: {  	[tilespmem:s24], [sflag:$0x2] =	stream.linear.gather @!p0 [hbm4b:s0+s1], $0x80, $0x38;
	[tilespmem:$0xA400] =	vst v63  }
0x37: {  	s31 =	sshll.u32 s23, $0x7;
	s24 =	sand.u32 $0x1, s23  }
0x38: {  	s0 =	sand.u32 $0x80, s31;
	v35 =	vmov s24  }
0x39: {  	v37 =	vld [tilespmem:s0+$0x0];
	v36 =	vshll.u32 v35, $0x7  }
0x3a: {  	s25 =	simm.s32 $0x0;
	s26 =	simm.s32 $0x1;
	v38 =	vld [tilespmem:s0+$0x10];
	v35 =	vbroadcast v36, $0x0  }
.LBB2_5:
0x3b: {  	p0 =	sne.s32 s26, $0x1F;
	v39 =	vld [tilespmem:s0+$0x20]  }
0x3c: {  	v40 =	vld [tilespmem:s0+$0x30]  }
0x3d: {  	v41 =	vld [tilespmem:s0+$0x40]  }
0x3e: {  	v42 =	vld [tilespmem:s0+$0x50]  }
0x3f: {  	vm0 =	vgt.f32 v38, v37;
	v43 =	vld [tilespmem:s0+$0x60]  }
0x40: {  	v37 =	vsel vm0, v38, v37;
	v38 =	vld [tilespmem:s0+$0x70];
	v44 =	vsel vm0, v1, v2  }
0x41: {  	vm0 =	vgt.f32 v39, v37;
	v45 =	vld [tilespmem:s0+$0x100]  }
0x42: {  	v37 =	vsel vm0, v39, v37;
	v39 =	vld [tilespmem:s0+$0x110];
	v44 =	vsel vm0, v26, v44  }
0x43: {  	vm0 =	vgt.f32 v40, v37;
	v46 =	vld [tilespmem:s0+$0x120]  }
0x44: {  	v37 =	vsel vm0, v40, v37;
	v40 =	vld [tilespmem:s0+$0x130];
	v44 =	vsel vm0, v31, v44  }
0x45: {  	vm0 =	vgt.f32 v41, v37;
	v47 =	vld [tilespmem:s0+$0x140]  }
0x46: {  	v37 =	vsel vm0, v41, v37;
	v41 =	vld [tilespmem:s0+$0x150];
	v44 =	vsel vm0, v33, v44  }
0x47: {  	vm0 =	vgt.f32 v42, v37;
	v48 =	vld [tilespmem:s0+$0x160]  }
0x48: {  	v37 =	vsel vm0, v42, v37;
	v42 =	vld [tilespmem:s0+$0x170];
	v44 =	vsel vm0, v29, v44  }
0x49: {  	vm0 =	vgt.f32 v43, v37  }
0x4a: {  	v37 =	vsel vm0, v43, v37;
	v43 =	vsel vm0, v30, v44  }
0x4b: {  	vm0 =	vgt.f32 v38, v37  }
0x4c: {  	v37 =	vsel vm0, v38, v37;
	v38 =	vsel vm0, v28, v43  }
0x4d: {  	vm0 =	vgt.f32 v45, v37  }
0x4e: {  	v37 =	vsel vm0, v45, v37;
	v38 =	vsel vm0, v27, v38  }
0x4f: {  	vm0 =	vgt.f32 v39, v37  }
0x50: {  	v37 =	vsel vm0, v39, v37;
	v38 =	vsel vm0, v34, v38  }
0x51: {  	vm0 =	vgt.f32 v46, v37  }
0x52: {  	v37 =	vsel vm0, v46, v37;
	v38 =	vsel vm0, v25, v38  }
0x53: {  	vm0 =	vgt.f32 v40, v37  }
0x54: {  	v37 =	vsel vm0, v40, v37  }
0x55: {  	vm1 =	vgt.f32 v47, v37  }
0x56: {  	v37 =	vsel vm1, v47, v37  }
0x57: {  	vm2 =	vgt.f32 v41, v37  }
0x58: {  	v37 =	vsel vm2, v41, v37  }
0x59: {  	vm3 =	vgt.f32 v48, v37  }
0x5a: {  	v37 =	vsel vm3, v48, v37  }
0x5b: {  	vm4 =	vgt.f32 v42, v37  }
0x5c: {  	v37 =	vsel vm4, v42, v37  }
0x5d: {  	(xrf0) =	vmax.scan.msk.f32 $0xffff, v37;
	_ =	sdelay $0x4  }
0x5e: {  	v38 =	vsel vm0, v24, v38  }
0x5f: {  	v38 =	vsel vm1, v23, v38;
	v39, _, _ =	vpop (xrf0)  }
0x60: {  	v38 =	vsel vm2, v4, v38;
	v39 =	vbroadcast v39, $0xF  }
0x61: {  	v38 =	vsel vm3, v3, v38  }
0x62: {  	vm0 =	veq.f32 v37, v39;
	v37 =	vsel vm4, v22, v38  }
0x63: {  	v37 =	vnsel vm0, $0xC0000000, v37  }
0x64: {  	(xrf0) =	vmin.scan.msk.u32 $0xffff, v37;
	_ =	sdelay $0x5  }
0x65: {  	v37, _, _ =	vpop (xrf0)  }
0x66: {  	(v2sf) =	vpush v37, $0xF;
	_ =	sdelay $0xd  }
0x67: {  	v37 =	vmov s25;
	s25 =	smov.u32 s26  }
0x68: {  	v37 =	vand.u32 $0x7F, v37;
	s1 =	spop (v2sf)  }
0x69: {  	v37 =	vor.u32 v36, v37;
	s1 =	sxor.u32 $0x80000000, s1  }
0x6a: {  	v37 =	vbroadcast v37, $0x0;
	v38 =	vmov s1  }
0x6b: {  	v40 =	vand.u32 $0x7F, v38;
	v41 =	vshll.u32 v38, $0x1  }
0x6c: {  	v41 =	vand.u32 $0xFFFFFF00, v41;
	v40 =	vor.u32 v35, v40  }
0x6d: {  	v40 =	vor.u32 v41, v40;
	_ =	sdelay $0x2  }
.Ltmp6:
0x6e: {  	[tilespmem:v37+s20+$0x0] =	vst.idx.msk $0x1, v38;
	(pc) =	sbr.rel @p0 .LBB2_5-.Ltmp6, $4  }
0x6f: {  	[tilespmem:v37+s17+$0x0] =	vst.idx.msk $0x1, v39  }
0x70: {  	[tilespmem:v40+s2+$0x0] =	vst.idx.msk $0x1, v5  }
0x71: {  	v37 =	vld [tilespmem:s0+$0x0]  }
0x72: {  	s26 =	sadd.s32 $0x1, s26;
	v38 =	vld [tilespmem:s0+$0x10]  }
0x73: {  	_ = 	snop  }
0x74: {  	v39 =	vld [tilespmem:s0+$0x20];
	_ =	sdelay $0x1  }
0x75: {  	v40 =	vld [tilespmem:s0+$0x30]  }
0x76: {  	vm0 =	vgt.f32 v38, v37  }
0x77: {  	v41 =	vld [tilespmem:s0+$0x40];
	v37 =	vsel vm0, v38, v37  }
0x78: {  	vm1 =	vgt.f32 v39, v37  }
0x79: {  	v57 =	vld [tilespmem:s0+$0x50];
	v37 =	vsel vm1, v39, v37  }
0x7a: {  	vm2 =	vgt.f32 v40, v37  }
0x7b: {  	v58 =	vld [tilespmem:s0+$0x60];
	v37 =	vsel vm2, v40, v37  }
0x7c: {  	vm3 =	vgt.f32 v41, v37  }
0x7d: {  	v59 =	vld [tilespmem:s0+$0x70];
	v37 =	vsel vm3, v41, v37  }
0x7e: {  	vm4 =	vgt.f32 v57, v37  }
0x7f: {  	v60 =	vld [tilespmem:s0+$0x100];
	v37 =	vsel vm4, v57, v37  }
0x80: {  	vm5 =	vgt.f32 v58, v37  }
0x81: {  	v61 =	vld [tilespmem:s0+$0x110];
	v37 =	vsel vm5, v58, v37  }
0x82: {  	vm6 =	vgt.f32 v59, v37  }
0x83: {  	v62 =	vld [tilespmem:s0+$0x120];
	v37 =	vsel vm6, v59, v37  }
0x84: {  	vm7 =	vgt.f32 v60, v37  }
0x85: {  	v63 =	vld [tilespmem:s0+$0x130];
	v37 =	vsel vm7, v60, v37  }
0x86: {  	vm8 =	vgt.f32 v61, v37  }
0x87: {  	v44 =	vld [tilespmem:s0+$0x140];
	v37 =	vsel vm8, v61, v37  }
0x88: {  	vm9 =	vgt.f32 v62, v37  }
0x89: {  	v45 =	vld [tilespmem:s0+$0x150];
	v37 =	vsel vm9, v62, v37  }
0x8a: {  	vm10 =	vgt.f32 v63, v37  }
0x8b: {  	v46 =	vld [tilespmem:s0+$0x160];
	v37 =	vsel vm10, v63, v37  }
0x8c: {  	vm11 =	vgt.f32 v44, v37  }
0x8d: {  	v47 =	vld [tilespmem:s0+$0x170];
	v37 =	vsel vm11, v44, v37  }
0x8e: {  	vm12 =	vgt.f32 v45, v37  }
0x8f: {  	v48 =	vsel vm0, v1, v2;
	v37 =	vsel vm12, v45, v37  }
0x90: {  	v49 =	vsel vm1, v26, v48;
	vm15 =	vgt.f32 v46, v37  }
0x91: {  	v38 =	vsel vm2, v31, v49;
	v37 =	vsel vm15, v46, v37  }
0x92: {  	v38 =	vsel vm3, v33, v38;
	vm13 =	vgt.f32 v47, v37  }
0x93: {  	v38 =	vsel vm4, v29, v38;
	v37 =	vsel vm13, v47, v37  }
0x94: {  	v38 =	vsel vm5, v30, v38;
	(xrf0) =	vmax.scan.msk.f32 $0xffff, v37  }
0x95: {  	v38 =	vsel vm6, v28, v38  }
0x96: {  	v38 =	vsel vm7, v27, v38  }
0x97: {  	v38 =	vsel vm8, v34, v38  }
0x98: {  	v38 =	vsel vm9, v25, v38  }
0x99: {  	v38 =	vsel vm10, v24, v38  }
0x9a: {  	v38 =	vsel vm11, v23, v38;
	v50, _, _ =	vpop (xrf0)  }
0x9b: {  	v38 =	vsel vm12, v4, v38;
	v39 =	vbroadcast v50, $0xF  }
0x9c: {  	v38 =	vsel vm15, v3, v38  }
0x9d: {  	v51 =	vsel vm13, v22, v38;
	vm14 =	veq.f32 v37, v39  }
0x9e: {  	v37 =	vnsel vm14, $0xC0000000, v51  }
0x9f: {  	(xrf0) =	vmin.scan.msk.u32 $0xffff, v37;
	_ =	sdelay $0x5  }
0xa0: {  	v37, _, _ =	vpop (xrf0)  }
0xa1: {  	(v2sf) =	vpush v37, $0xF;
	_ =	sdelay $0xd  }
0xa2: {  	v52 =	vmov s25  }
0xa3: {  	v37 =	vand.u32 $0x7F, v52;
	s30 =	spop (v2sf)  }
0xa4: {  	v36 =	vor.u32 v36, v37;
	s0 =	sxor.u32 $0x80000000, s30  }
0xa5: {  	v36 =	vbroadcast v36, $0x0;
	v53 =	vmov s0  }
0xa6: {  	v54 =	vand.u32 $0x7F, v53;
	v55 =	vshll.u32 v53, $0x1  }
0xa7: {  	v40 =	vand.u32 $0xFFFFFF00, v55;
	v35 =	vor.u32 v35, v54  }
0xa8: {  	v35 =	vor.u32 v40, v35;
	_ =	sdelay $0x2  }
0xa9: {  	[tilespmem:v36+s20+$0x0] =	vst.idx.msk $0x1, v53  }
0xaa: {  	p0 =	seq.s32 s23, $0x0;
	[tilespmem:v36+s17+$0x0] =	vst.idx.msk $0x1, v39  }
0xab: {  	s0 =	simm.s32 @!p0 $0x1;
	[tilespmem:v35+s2+$0x0] =	vst.idx.msk $0x1, v5  }
0xac: {  	_ =	swait.ge @!p0 [sflag:s0], $0x4000  }
0xad: {  	[sflag:s0] =	ssyncset.done @!p0 $0x0  }
0xae: {  	s31 =	sshll.u32 s24, $0x7;
	[sflag:s0] =	ssyncadd.s32 @!p0 $0xFFFFC000  }
0xaf: {  	v56 =	vld [tilespmem:s31+$0x200];
	_ =	sdelay $0x2  }
0xb0: {  	s1 =	sadd.s32 s3, s23  }
0xb1: {  	v57 =	vmov s1  }
0xb2: {  	v58 =	vshll.u32 v57, $0x2;
	v35 =	vshll.u32 v56, $0xC  }
0xb3: {  	v35 =	vadd.s32 v58, v35  }
0xb4: {  	v0 =	vlaneseq.u32;
	v36 =	vand.u32 $0x7, v57;
	v35 =	vand.u32 $0xFFFFFFE0, v35  }
0xb5: {  	v60 =	vand.u32 $0x7, v0;
	v61 =	vshrl.u32 v0, $0x3;
	v59 =	vld [tilespmem:s31+$0x210];
	v35 =	vor.u32 v36, v35  }
0xb6: {  	v40 =	vmul.u32 $0x8, v61;
	v62 =	vperm.xlane v35, v60;
	_ =	sdelay $0x1  }
0xb7: {  	v41 =	vadd.s32 v40, v62  }
0xb8: {  	v42 =	vor.u32 $0x8, v0  }
0xb9: {  	v38 =	vshll.u32 v59, $0xC;
	v35 =	vperm.xlane v35, v42  }
0xba: {  	s12 =	sshll.u32 s24, $0xE;
	v37 =	vadd.s32 v58, v38  }
0xbb: {  	s24 =	sor.u32 $0x400, s12;
	vm15 =	vmmov $0xffff;
	v37 =	vand.u32 $0xFFFFFFE0, v37;
	v35 =	vadd.s32 v40, v35  }
0xbc: {  	v36 =	vor.u32 v36, v37;
	[tilespmem:s24], [sflag:$0x1] =	stream.indirect_vreg.gather [hbm4b:s4+s2], $0x80, v41, vm15, $0xb8;
	[tilespmem:$0xA400] =	vst v63  }
0xbd: {  	s25 =	sor.u32 $0xC00, s12;
	v37 =	vperm.xlane v36, v60  }
0xbe: {  	[tilespmem:s25], [sflag:$0x1] =	stream.indirect_vreg.gather [hbm4b:s8+s2], $0x80, v41, vm15, $0xb8;
	[tilespmem:$0xA400] =	vst v63  }
0xbf: {  	s26 =	sor.u32 $0x1400, s12;
	v37 =	vadd.s32 v40, v37  }
0xc0: {  	[tilespmem:s26], [sflag:$0x1] =	stream.indirect_vreg.gather [hbm4b:s4+s2], $0x80, v35, vm15, $0xb8;
	[tilespmem:$0xA400] =	vst v63  }
0xc1: {  	s28 =	sor.u32 $0x1C00, s12  }
0xc2: {  	v36 =	vperm.xlane v36, v42;
	[tilespmem:s28], [sflag:$0x1] =	stream.indirect_vreg.gather [hbm4b:s8+s2], $0x80, v35, vm15, $0xb8;
	[tilespmem:$0xA400] =	vst v63  }
0xc3: {  	s29 =	sor.u32 $0x2400, s12  }
0xc4: {  	v63 =	vadd.s32 v40, v36;
	[tilespmem:s29], [sflag:$0x1] =	stream.indirect_vreg.gather [hbm4b:s4+s2], $0x80, v37, vm15, $0xb8;
	[tilespmem:$0xA400] =	vst v63  }
0xc5: {  	s30 =	sor.u32 $0x2C00, s12  }
0xc6: {  	[tilespmem:s30], [sflag:$0x1] =	stream.indirect_vreg.gather [hbm4b:s8+s2], $0x80, v37, vm15, $0xb8;
	[tilespmem:$0xA400] =	vst v63  }
.Ltmp7:
0xc7: {  	_ = 	snop;
	(pc) =	sbr.rel @p0 .LBB2_10-.Ltmp7, $4  }
0xc8: {  	s31 =	sor.u32 $0x3400, s12  }
0xc9: {  	[tilespmem:s31], [sflag:$0x1] =	stream.indirect_vreg.gather [hbm4b:s4+s2], $0x80, v63, vm15, $0xb8;
	[tilespmem:$0xA400] =	vst v63  }
0xca: {  	s0 =	sor.u32 $0x3C00, s12  }
0xcb: {  	[tilespmem:s0], [sflag:$0x1] =	stream.indirect_vreg.gather [hbm4b:s8+s2], $0x80, v63, vm15, $0xb8;
	[tilespmem:$0xA400] =	vst v63  }
.LBB2_7:
0xcc: {  	s31 =	sadd.s32 $0xFFFFFFFF, s23  }
0xcd: {  	s30 =	sand.u32 $0x1, s31  }
0xce: {  	s0 =	sshll.u32 s30, $0x7  }
0xcf: {  	s23 =	sor.u32 $0x300, s0  }
0xd0: {  	s24 =	sor.u32 $0x310, s0;
	v36 =	vld [tilespmem:s23+$0x0]  }
0xd1: {  	v37 =	vld [tilespmem:s24+$0x0];
	_ =	sdelay $0x4  }
0xd2: {  	v35 =	vmax.f32 v36, v37  }
0xd3: {  	(xrf0) =	vmax.scan.msk.f32 $0xffff, v35;
	_ =	sdelay $0x2  }
0xd4: {  	s25 =	sor.u32 $0x210, s0  }
0xd5: {  	s26 =	sor.u32 $0x200, s0;
	v38 =	vld [tilespmem:s25+$0x0]  }
0xd6: {  	v39 =	vld [tilespmem:s26+$0x0]  }
0xd7: {  	v35, _, _ =	vpop (xrf0)  }
0xd8: {  	v41 =	vbroadcast v35, $0xF;
	_ =	sdelay $0x1  }
0xd9: {  	vm0 =	veq.f32 v36, v41;
	vm1 =	veq.f32 v37, v41  }
0xda: {  	v36 =	vnsel vm0, $0x40000000, v39;
	v37 =	vnsel vm1, $0x40000000, v38  }
0xdb: {  	vm2 =	vlt.s32 v36, v37  }
0xdc: {  	v36 =	vsel vm2, v36, v37  }
0xdd: {  	v36 =	vxor.u32 $0x80000000, v36  }
0xde: {  	(xrf0) =	vmin.scan.msk.u32 $0xffff, v36;
	_ =	sdelay $0x5  }
0xdf: {  	v36, _, _ =	vpop (xrf0)  }
0xe0: {  	(v2sf) =	vpush v36, $0xF;
	_ =	sdelay $0xe  }
0xe1: {  	s29 =	spop (v2sf)  }
0xe2: {  	s1 =	sxor.u32 $0x80000000, s29  }
0xe3: {  	vm11 =	veq.s32 v38, s1  }
0xe4: {  	vm3 =	veq.s32 v39, s1;
	vm1 =	vmand vm1, vm11  }
0xe5: {  	vm0 =	vmand vm0, vm3;
	v55 =	vnsel vm1, $0xC0000000, v1  }
0xe6: {  	v36 =	vsel vm0, v2, v55  }
0xe7: {  	(xrf0) =	vmin.scan.msk.u32 $0xffff, v36;
	_ =	sdelay $0x5  }
0xe8: {  	v36, _, _ =	vpop (xrf0)  }
0xe9: {  	(v2sf) =	vpush v36, $0xF;
	_ =	sdelay $0xe  }
0xea: {  	s0 =	spop (v2sf)  }
0xeb: {  	s1 =	sshll.u32 s30, $0xE;
	s12 =	sshll.u32 s0, $0x9  }
0xec: {  	s28 =	sor.u32 $0x400, s1;
	s1 =	sshll.u32 s0, $0x7;
	s12 =	sand.u32 $0xFFFFF000, s12  }
0xed: {  	s1 =	sand.u32 $0x380, s1;
	s12 =	sadd.s32 s12, s28  }
0xee: {  	s1 =	sadd.s32 s1, s12  }
0xef: {  	v42 =	vld [tilespmem:s1+$0xC10]  }
0xf0: {  	v40 =	vld [tilespmem:s1+$0xC20]  }
0xf1: {  	v56 =	vld [tilespmem:s1+$0x0]  }
0xf2: {  	v44 =	vld [tilespmem:s1+$0xC30]  }
0xf3: {  	v57 =	vld [tilespmem:s1+$0xC40]  }
0xf4: {  	v58 =	vld [tilespmem:s1+$0xC50]  }
0xf5: {  	v0 =	vld [tilespmem:s1+$0xC60]  }
0xf6: {  	v59 =	vld [tilespmem:s1+$0xC70]  }
0xf7: {  	v50 =	vld [tilespmem:s1+$0x10]  }
0xf8: {  	v48 =	vld [tilespmem:s1+$0x20]  }
0xf9: {  	v49 =	vld [tilespmem:s1+$0x30]  }
0xfa: {  	v36 =	vld [tilespmem:s1+$0x870]  }
0xfb: {  	v60 =	vld [tilespmem:s1+$0xC00]  }
0xfc: {  	v55 =	vld [tilespmem:s1+$0x850];
	vm0 =	veq.f32 v44, v41;
	vm14 =	veq.f32 v57, v41  }
0xfd: {  	vm5 =	veq.f32 v40, v41;
	vm3 =	veq.f32 v58, v41;
	vm6 =	veq.f32 v42, v41  }
0xfe: {  	[tilespmem:$0x1FE00] =	vst v42;
	vm15 =	veq.f32 v0, v41;
	vm4 =	veq.f32 v56, v41;
	vm2 =	veq.f32 v59, v41  }
0xff: {  	[tilespmem:$0x1FE30] =	vst v40;
	v38 =	vmax.f32 v56, $-3.000000010e+38;
	vm7 =	veq.f32 v50, v41;
	vm8 =	veq.f32 v48, v41  }
0x100: {  	[tilespmem:$0x1FF20] =	vst v57;
	vm11 =	veq.f32 v49, v41;
	vm10 =	veq.f32 v60, v41;
	v52 =	vnsel vm2, $0xC0000000, v6  }
0x101: {  	[tilespmem:$0x1FE70] =	vst v58;
	vm9 =	veq.f32 v36, v41;
	vm1 =	veq.f32 v55, v41;
	v61 =	vsel vm15, v7, v52;
	v52 =	vld [tilespmem:s1+$0x860]  }
0x102: {  	[tilespmem:$0x1FF50] =	vst v0;
	v51 =	vsel vm4, $0x1, v32;
	v53 =	vsel vm4, $0xFF61B1E6, v38;
	v39 =	vsel vm0, $0x1, v32  }
0x103: {  	[tilespmem:$0x1FF00] =	vst v59;
	v0 =	vsel vm0, $0xFF61B1E6, v44;
	v62 =	vsel vm7, $0x1, v32;
	v38 =	vld [tilespmem:s1+$0x840];
	v54 =	vsel vm3, v8, v61  }
0x104: {  	[tilespmem:$0x1FDE0] =	vst v60;
	v56 =	vsel vm8, $0xFF61B1E6, v48;
	v58 =	vsel vm8, $0x1, v32;
	v54 =	vsel vm14, v9, v54  }
0x105: {  	v59 =	vld [tilespmem:s1+$0x830];
	v50 =	vsel vm7, $0xFF61B1E6, v50;
	[tilespmem:$0x1FF10] =	vst v0;
	v0 =	vadd.s32 v62, v51;
	v63 =	vsel vm0, v10, v54  }
0x106: {  	[tilespmem:$0x1FDC0] =	vst v0;
	v0 =	vsel vm11, $0x1, v32;
	v40 =	vsel vm5, v11, v63;
	vm0 =	veq.f32 v52, v41  }
0x107: {  	v60 =	vld [tilespmem:s1+$0x820];
	v50 =	vmax.f32 v53, v50;
	[tilespmem:$0x1FDD0] =	vst v0;
	v44 =	vsel vm6, v12, v40;
	v0 =	vsel vm0, $0x1, v32  }
0x108: {  	v62 =	vld [tilespmem:s1+$0x810];
	vm12 =	veq.f32 v38, v41;
	v47 =	vsel vm10, v13, v44;
	[tilespmem:$0x1FEE0] =	vst v0;
	v0 =	vsel vm0, $0xFF61B1E6, v52  }
0x109: {  	v37 =	vld [tilespmem:s1+$0x470];
	v61 =	vsel vm11, $0xFF61B1E6, v49;
	v48 =	vsel vm9, v14, v47;
	[tilespmem:$0x1FEB0] =	vst v0;
	v0 =	vsel vm12, $0x1, v32  }
0x10a: {  	v42 =	vld [tilespmem:s1+$0x450];
	v63 =	vsel vm0, v15, v48;
	vm0 =	veq.f32 v59, v41;
	[tilespmem:$0x1FEC0] =	vst v0;
	v0 =	vsel vm12, $0xFF61B1E6, v38  }
0x10b: {  	v57 =	vld [tilespmem:s1+$0x800];
	v50 =	vmax.f32 v50, v56;
	v49 =	vsel vm1, v16, v63;
	[tilespmem:$0x1FE60] =	vst v0;
	v0 =	vsel vm0, $0x1, v32  }
0x10c: {  	v52 =	vsel vm12, v17, v49;
	vm12 =	veq.f32 v60, v41;
	[tilespmem:$0x1FEA0] =	vst v0;
	v0 =	vsel vm0, $0xFF61B1E6, v59  }
0x10d: {  	v44 =	vld [tilespmem:s1+$0x440];
	v52 =	vsel vm0, v18, v52;
	vm0 =	veq.f32 v62, v41;
	[tilespmem:$0x1FE40] =	vst v0;
	v0 =	vsel vm1, $0x1, v32  }
0x10e: {  	v50 =	vmax.f32 v50, v61;
	v47 =	vld [tilespmem:s1+$0x430];
	v52 =	vsel vm12, v19, v52;
	[tilespmem:$0x1FED0] =	vst v0;
	v0 =	vsel vm0, $0xFF61B1E6, v62  }
0x10f: {  	v43 =	vld [tilespmem:s1+$0x460];
	vm13 =	veq.f32 v42, v41;
	v52 =	vsel vm0, v20, v52;
	[tilespmem:$0x1FE10] =	vst v0;
	v0 =	vsel vm0, $0x1, v32  }
0x110: {  	vm0 =	veq.f32 v57, v41;
	[tilespmem:$0x1FE50] =	vst v0;
	v0 =	vsel vm1, $0xFF61B1E6, v55;
	vm1 =	veq.f32 v37, v41  }
0x111: {  	v52 =	vsel vm0, v21, v52;
	v63 =	vsel vm0, $0xFF61B1E6, v57;
	[tilespmem:$0x1FE90] =	vst v0;
	v0 =	vsel vm12, $0xFF61B1E6, v60  }
0x112: {  	v38 =	vld [tilespmem:s1+$0x420];
	v60 =	vsel vm0, $0x1, v32;
	v52 =	vsel vm1, v22, v52;
	v59 =	vsel vm1, $0x1, v32  }
0x113: {  	v40 =	vld [tilespmem:s1+$0x400];
	v57 =	vsel vm1, $0xFF61B1E6, v37;
	vm1 =	veq.f32 v44, v41;
	vm0 =	veq.f32 v47, v41  }
0x114: {  	v62 =	vld [tilespmem:s1+$0x410];
	[tilespmem:$0x1FE20] =	vst v0;
	v0 =	vsel vm12, $0x1, v32;
	vm12 =	veq.f32 v43, v41;
	v51 =	vsel vm0, $0x1, v32  }
0x115: {  	v48 =	vsel vm0, $0xFF61B1E6, v47;
	v56 =	vsel vm1, $0x1, v32;
	[tilespmem:$0x1FE80] =	vst v0;
	v0 =	vld [tilespmem:s1+$0x40];
	v52 =	vsel vm12, v3, v52  }
0x116: {  	v46 =	vsel vm1, $0xFF61B1E6, v44;
	v47 =	vsel vm13, $0xFF61B1E6, v42;
	v52 =	vsel vm13, v4, v52  }
0x117: {  	v37 =	vld [tilespmem:s1+$0x50];
	v54 =	vsel vm12, $0xFF61B1E6, v43;
	v52 =	vsel vm1, v23, v52;
	vm1 =	veq.f32 v38, v41  }
0x118: {  	[tilespmem:$0x1FDF0] =	vst v36;
	v36 =	vld [tilespmem:s1+$0x70];
	v55 =	vsel vm12, $0x1, v32;
	v52 =	vsel vm0, v24, v52;
	v45 =	vsel vm1, $0x1, v32  }
0x119: {  	v42 =	vsel vm1, $0xFF61B1E6, v38;
	v52 =	vsel vm1, v25, v52;
	vm1 =	veq.f32 v62, v41  }
0x11a: {  	vm12 =	veq.f32 v40, v41;
	vm0 =	veq.f32 v0, v41;
	v53 =	vsel vm1, $0xFF61B1E6, v62;
	v62 =	vld [tilespmem:$0x1FDC0]  }
0x11b: {  	v40 =	vsel vm12, $0xFF61B1E6, v40;
	v38 =	vsel vm12, $0x1, v32;
	v43 =	vsel vm0, $0xFF61B1E6, v0;
	v0 =	vld [tilespmem:s1+$0x60]  }
0x11c: {  	v44 =	vsel vm1, $0x1, v32;
	v52 =	vsel vm1, v34, v52;
	vm1 =	veq.f32 v37, v41;
	v34 =	vld [tilespmem:$0x1FDD0]  }
0x11d: {  	v52 =	vsel vm12, v27, v52;
	vm12 =	veq.f32 v36, v41;
	v37 =	vsel vm1, $0xFF61B1E6, v37  }
0x11e: {  	v61 =	vsel vm12, $0x1, v32;
	v36 =	vsel vm12, $0xFF61B1E6, v36;
	v43 =	vmax.f32 v50, v43  }
0x11f: {  	v52 =	vsel vm12, v28, v52;
	v37 =	vmax.f32 v43, v37;
	v43 =	vsel vm1, $0x1, v32  }
0x120: {  	v58 =	vadd.s32 v58, v62;
	v62 =	vsel vm0, $0x1, v32;
	vm12 =	veq.f32 v0, v41  }
0x121: {  	v58 =	vadd.s32 v34, v58;
	v0 =	vsel vm12, $0xFF61B1E6, v0;
	v50 =	vsel vm12, $0x1, v32  }
0x122: {  	v52 =	vsel vm12, v30, v52;
	v0 =	vmax.f32 v37, v0;
	v37 =	vadd.s32 v62, v58;
	v58 =	vld [tilespmem:$0x1FE70]  }
0x123: {  	v52 =	vsel vm1, v29, v52;
	v62 =	vld [tilespmem:$0x1FEB0];
	v0 =	vmax.f32 v0, v36;
	v37 =	vadd.s32 v43, v37  }
0x124: {  	v34 =	vsel vm0, v33, v52;
	v52 =	vld [tilespmem:$0x1FE10];
	v0 =	vmax.f32 v0, v40;
	v37 =	vadd.s32 v50, v37  }
0x125: {  	v50 =	vld [tilespmem:$0x1FDF0];
	v0 =	vmax.f32 v0, v53;
	v37 =	vadd.s32 v61, v37  }
0x126: {  	v53 =	vld [tilespmem:$0x1FE20];
	v0 =	vmax.f32 v0, v42;
	v37 =	vadd.s32 v38, v37  }
0x127: {  	v61 =	vld [tilespmem:$0x1FEA0];
	v0 =	vmax.f32 v0, v48;
	v37 =	vadd.s32 v44, v37  }
0x128: {  	v48 =	vld [tilespmem:$0x1FDE0];
	v0 =	vmax.f32 v0, v46;
	v37 =	vadd.s32 v45, v37  }
0x129: {  	v0 =	vmax.f32 v0, v47;
	v37 =	vadd.s32 v51, v37;
	v51 =	vld [tilespmem:$0x1FE00]  }
0x12a: {  	v49 =	vsel vm13, $0x1, v32;
	v0 =	vmax.f32 v0, v54;
	v37 =	vadd.s32 v56, v37;
	v56 =	vld [tilespmem:$0x1FE50]  }
0x12b: {  	v36 =	vsel vm11, v31, v34;
	v0 =	vmax.f32 v0, v57;
	v37 =	vadd.s32 v49, v37;
	v57 =	vld [tilespmem:$0x1FE60]  }
0x12c: {  	s12 =	simm.s32 $0x0;
	v36 =	vsel vm8, v26, v36;
	v37 =	vadd.s32 v55, v37;
	v55 =	vld [tilespmem:$0x1FE40]  }
0x12d: {  	v34 =	vmov s12;
	v36 =	vsel vm7, v1, v36;
	v37 =	vadd.s32 v59, v37;
	v59 =	vld [tilespmem:$0x1FE80]  }
0x12e: {  	v38 =	vsel vm10, $0x1, v32;
	v0 =	vmax.f32 v0, v63;
	v37 =	vadd.s32 v60, v37;
	v60 =	vld [tilespmem:$0x1FE90]  }
0x12f: {  	v42 =	vsel vm9, $0x1, v32;
	v44 =	vsel vm6, $0x1, v32;
	v54 =	vld [tilespmem:$0x1FE30];
	v0 =	vmax.f32 v0, v52  }
0x130: {  	s31 =	sshll.u32 s31, $0x7;
	v43 =	vsel vm9, $0xFF61B1E6, v50;
	v40 =	vsel vm10, $0xFF61B1E6, v48;
	v63 =	vld [tilespmem:$0x1FEC0];
	v0 =	vmax.f32 v0, v53  }
0x131: {  	v47 =	vld [tilespmem:$0x1FED0];
	v48 =	vmov s31;
	v52 =	vsel vm4, v2, v36;
	v0 =	vmax.f32 v0, v55  }
0x132: {  	v45 =	vsel vm6, $0xFF61B1E6, v51;
	v53 =	vld [tilespmem:$0x1FEE0];
	v37 =	vadd.s32 v56, v37;
	v0 =	vmax.f32 v0, v57  }
0x133: {  	v51 =	vsel vm3, $0xFF61B1E6, v58;
	v37 =	vadd.s32 v59, v37;
	v57 =	vld [tilespmem:$0x1FF10];
	v0 =	vmax.f32 v0, v60  }
0x134: {  	v50 =	vsel vm5, $0xFF61B1E6, v54;
	v36 =	vadd.s32 v61, v37;
	v60 =	vld [tilespmem:$0x1FF20];
	v0 =	vmax.f32 v0, v62  }
0x135: {  	v56 =	vmov s30;
	v36 =	vadd.s32 v63, v36;
	v0 =	vmax.f32 v0, v43  }
0x136: {  	v59 =	vshll.u32 v56, $0x7;
	v43 =	vadd.s32 v47, v36;
	v0 =	vmax.f32 v0, v40  }
0x137: {  	v37 =	vand.u32 $0x7F, v34;
	v40 =	vadd.s32 v53, v43;
	v0 =	vmax.f32 v0, v45  }
0x138: {  	v37 =	vadd.s32 v48, v37;
	v55 =	vadd.s32 v42, v40;
	v0 =	vmax.f32 v0, v50  }
0x139: {  	s0 =	sxor.u32 $0x80000000, s0;
	v40 =	vadd.s32 v38, v55;
	v61 =	vsel vm14, $0xFF61B1E6, v60;
	v0 =	vmax.f32 v0, v57  }
0x13a: {  	v54 =	vld [tilespmem:$0x1FF00];
	v44 =	vadd.s32 v44, v40;
	v40 =	vmov s0;
	v0 =	vmax.f32 v0, v61  }
0x13b: {  	v26 =	vbroadcast v37, $0x0;
	v50 =	vmax.f32 v0, v51;
	v0 =	vand.u32 $0xFFFFFF80, v40  }
0x13c: {  	v24 =	vadd.s32 v59, v0;
	v0 =	vld [tilespmem:$0x1FF50];
	_ =	sdelay $0x1  }
0x13d: {  	v46 =	vsel vm3, $0x1, v32;
	v49 =	vsel vm5, $0x1, v32;
	[tilespmem:$0x1FEF0] =	vst v48;
	v58 =	vshll.u32 v56, $0xE  }
0x13e: {  	(xrf0) =	vmin.scan.msk.u32 $0xffff, v52;
	[tilespmem:$0x1FF40] =	vst v58;
	v48 =	vsel vm2, $0xFF61B1E6, v54;
	v62 =	vshll.u32 v40, $0x9  }
0x13f: {  	[tilespmem:$0x1FF30] =	vst v59;
	v47 =	vsel vm2, $0x1, v32;
	v49 =	vadd.s32 v49, v44;
	v63 =	vand.u32 $0xFFFFF000, v62  }
0x140: {  	s30 =	simm.s32 $0x1;
	v38 =	vshll.u32 v40, $0x7;
	[tilespmem:v26+s14+$0x0] =	vst.idx.msk $0x1, v41;
	v36 =	vadd.s32 v58, v63;
	v56 =	vsel vm15, $0xFF61B1E6, v0  }
.LBB2_8:
0x141: {  	_ = 	snop  }
0x142: {  	v0 =	vmax.f32 v50, v56;
	v45 =	vsel vm14, $0x1, v32;
	v39 =	vadd.s32 v39, v49  }
0x143: {  	v0 =	vmax.f32 v0, v48;
	v39 =	vadd.s32 v45, v39  }
0x144: {  	v3 =	vsel vm15, $0x1, v32;
	(xrf0) =	vmax.scan.msk.f32 $0xffff, v0;
	v0 =	vadd.s32 v46, v39  }
0x145: {  	v0 =	vadd.s32 v3, v0  }
0x146: {  	v55, _, _ =	vpop (xrf0);
	v0 =	vadd.s32 v47, v0  }
0x147: {  	(v2sf) =	vpush v55, $0xF;
	(xrf0) =	vadd.scan.msk.s32 $0xffff, v0;
	_ =	sdelay $0x4  }
0x148: {  	v0, _, _ =	vpop (xrf0)  }
0x149: {  	(v2sf) =	vpush v0, $0xF;
	v0, _, _ =	vpop (xrf0)  }
0x14a: {  	(v2sf) =	vpush v0, $0xF  }
0x14b: {  	(v2sf) =	vpush v35, $0xF;
	_ =	sdelay $0x6  }
0x14c: {  	s1 =	spop (v2sf)  }
0x14d: {  	s1 =	sxor.u32 $0x80000000, s1  }
0x14e: {  	v0 =	vand.u32 $0x380, v38;
	v56 =	vmov s1  }
0x14f: {  	v0 =	vor.u32 v0, v36;
	v42 =	vand.u32 $0x7F, v56;
	v35 =	vshll.u32 v56, $0x3  }
0x150: {  	v35 =	vand.u32 $0xFFFFFC00, v35;
	v0 =	vor.u32 v42, v0  }
0x151: {  	s12 =	sshll.u32 s29, $0x9;
	v58 =	vand.u32 $0x7F, v40;
	v0 =	vadd.s32 v35, v0  }
0x152: {  	s12 =	sadd.s32 s12, s1;
	v35 =	vor.u32 v58, v24;
	s1 =	spop (v2sf)  }
0x153: {  	s31 =	spop (v2sf)  }
0x154: {  	v57 =	vmov s12;
	p1 =	sgt.s32 s31, $0x1;
	s12 =	spop (v2sf)  }
0x155: {  	[tilespmem:v26+s15+$0x0] =	vst.idx.msk $0x1, v57;
	s1 =	smov.u32 @p1 s12  }
0x156: {  	[tilespmem:v0+s16+$0x0] =	vst.idx.msk $0x1, v5;
	v0 =	vmov s1  }
0x157: {  	[tilespmem:v35+s17+$0x0] =	vst.idx.msk $0x1, v0  }
0x158: {  	v0 =	vld [tilespmem:s23+$0x0]  }
0x159: {  	v39 =	vld [tilespmem:s24+$0x0];
	_ =	sdelay $0x4  }
0x15a: {  	v59 =	vmax.f32 v0, v39  }
0x15b: {  	(xrf0) =	vmax.scan.msk.f32 $0xffff, v59;
	_ =	sdelay $0x3  }
0x15c: {  	v60 =	vld [tilespmem:s25+$0x0]  }
0x15d: {  	v41 =	vld [tilespmem:s26+$0x0]  }
0x15e: {  	v3, _, _ =	vpop (xrf0)  }
0x15f: {  	v45 =	vbroadcast v3, $0xF;
	_ =	sdelay $0x1  }
0x160: {  	vm0 =	veq.f32 v0, v45;
	vm1 =	veq.f32 v39, v45  }
0x161: {  	v0 =	vnsel vm0, $0x40000000, v41;
	v39 =	vnsel vm1, $0x40000000, v60  }
0x162: {  	vm2 =	vlt.s32 v0, v39  }
0x163: {  	v0 =	vsel vm2, v0, v39  }
0x164: {  	v0 =	vxor.u32 $0x80000000, v0  }
0x165: {  	(xrf0) =	vmin.scan.msk.u32 $0xffff, v0;
	_ =	sdelay $0x5  }
0x166: {  	v0, _, _ =	vpop (xrf0)  }
0x167: {  	(v2sf) =	vpush v0, $0xF;
	_ =	sdelay $0xe  }
0x168: {  	s29 =	spop (v2sf)  }
0x169: {  	s12 =	sxor.u32 $0x80000000, s29  }
0x16a: {  	vm3 =	veq.s32 v60, s12  }
0x16b: {  	vm8 =	veq.s32 v41, s12;
	vm1 =	vmand vm1, vm3  }
0x16c: {  	vm0 =	vmand vm0, vm8;
	v0 =	vnsel vm1, $0xC0000000, v1  }
0x16d: {  	v0 =	vsel vm0, v2, v0  }
0x16e: {  	(xrf0) =	vmin.scan.msk.u32 $0xffff, v0;
	_ =	sdelay $0x5  }
0x16f: {  	v0, _, _ =	vpop (xrf0)  }
0x170: {  	(v2sf) =	vpush v0, $0xF;
	_ =	sdelay $0xe  }
0x171: {  	s1 =	spop (v2sf)  }
0x172: {  	s12 =	sxor.u32 $0x80000000, s1  }
0x173: {  	v40 =	vmov s12  }
0x174: {  	[tilespmem:$0x1FD20] =	vst v3;
	v3 =	vshll.u32 v40, $0x7  }
0x175: {  	s31 =	sshll.u32 s1, $0x9;
	[tilespmem:$0x1FCC0] =	vst v3;
	v3 =	vld [tilespmem:$0x1FF30]  }
0x176: {  	s1 =	sshll.u32 s1, $0x7;
	s31 =	sand.u32 $0xFFFFF000, s31  }
0x177: {  	s1 =	sand.u32 $0x380, s1;
	s31 =	sadd.s32 s31, s28  }
0x178: {  	s31 =	sadd.s32 s1, s31  }
0x179: {  	v61 =	vand.u32 $0xFFFFFF80, v40;
	v47 =	vld [tilespmem:s31+$0xC10]  }
0x17a: {  	v49 =	vld [tilespmem:s31+$0xC20];
	v3 =	vadd.s32 v3, v61  }
0x17b: {  	[tilespmem:$0x1FCD0] =	vst v3;
	v3 =	vld [tilespmem:$0x1FF40]  }
0x17c: {  	v62 =	vld [tilespmem:s31+$0xC30]  }
0x17d: {  	v63 =	vld [tilespmem:s31+$0xC40]  }
0x17e: {  	v0 =	vshll.u32 v40, $0x9;
	v57 =	vld [tilespmem:s31+$0xC50]  }
0x17f: {  	v0 =	vand.u32 $0xFFFFF000, v0;
	v56 =	vld [tilespmem:s31+$0xC60]  }
0x180: {  	v53 =	vld [tilespmem:s31+$0x10];
	vm3 =	veq.f32 v49, v45;
	v0 =	vadd.s32 v3, v0;
	v3 =	vimm.s32 $0x0  }
0x181: {  	v48 =	vld [tilespmem:s31+$0xC70];
	[tilespmem:$0x1FCF0] =	vst v0;
	v3 =	vsel vm3, $0xFFFFFFFF, v3  }
0x182: {  	s0 =	smov.u32 s30;
	v4 =	vimm.s32 $0x0;
	vm4 =	veq.f32 v47, v45;
	v0 =	vld [tilespmem:s31+$0x0];
	[tilespmem:$0x1FD60] =	vst v3;
	v3 =	vimm.s32 $0x0  }
0x183: {  	v43 =	vmov s0;
	v54 =	vld [tilespmem:s31+$0x20];
	vm6 =	veq.f32 v63, v45;
	v3 =	vsel vm4, $0xFFFFFFFF, v3  }
0x184: {  	v43 =	vand.u32 $0x7F, v43;
	v5 =	vimm.s32 $0x0;
	v55 =	vld [tilespmem:s31+$0x30];
	[tilespmem:$0x1FCB0] =	vst v3;
	v3 =	vsel vm6, $0xFF61B1E6, v63  }
0x185: {  	v59 =	vld [tilespmem:s31+$0x40];
	vm0 =	veq.f32 v62, v45;
	vm8 =	veq.f32 v56, v45;
	[tilespmem:$0x1FDA0] =	vst v3;
	v3 =	vimm.s32 $0x0  }
0x186: {  	vm15 =	veq.f32 v57, v45;
	vm5 =	veq.f32 v53, v45;
	v3 =	vsel vm8, $0xFFFFFFFF, v3  }
0x187: {  	v52 =	vld [tilespmem:s31+$0xC00];
	vm10 =	veq.f32 v48, v45;
	vm9 =	veq.f32 v0, v45;
	[tilespmem:$0x1FCA0] =	vst v3;
	v3 =	vimm.s32 $0x0  }
0x188: {  	v50 =	vld [tilespmem:s31+$0x810];
	v60 =	vnsel vm10, $0xC0000000, v6;
	v6 =	vimm.s32 $0x0;
	v3 =	vsel vm9, $0xFFFFFFFF, v3  }
0x189: {  	vm7 =	veq.f32 v54, v45;
	vm2 =	veq.f32 v55, v45;
	v6 =	vsel vm15, $0xFFFFFFFF, v6;
	[tilespmem:$0x1FDB0] =	vst v3;
	v3 =	vld [tilespmem:$0x1FEF0]  }
0x18a: {  	vm12 =	veq.f32 v59, v45;
	v4 =	vsel vm6, $0xFFFFFFFF, v4;
	vm11 =	vmmov vm5;
	[tilespmem:$0x1FD70] =	vst v6;
	v6 =	vld [tilespmem:s31+$0x60]  }
0x18b: {  	v61 =	vsel vm5, $0x1, v32;
	v5 =	vsel vm2, $0xFFFFFFFF, v5;
	v35 =	vsel vm2, $0x1, v32  }
0x18c: {  	v34 =	vsel vm8, v7, v60;
	[tilespmem:$0x1FD10] =	vst v5;
	v5 =	vsel vm2, $0xFF61B1E6, v55;
	v36 =	vsel vm11, $0xFF61B1E6, v53;
	v63 =	vld [tilespmem:s31+$0x50]  }
0x18d: {  	v7 =	vimm.s32 $0x0;
	vm11 =	veq.f32 v52, v45;
	v58 =	vsel vm9, $0x1, v32  }
0x18e: {  	v58 =	vadd.s32 v61, v58;
	v61 =	vld [tilespmem:s31+$0x850];
	v43 =	vadd.s32 v3, v43;
	v3 =	vsel vm0, $0x1, v32  }
0x18f: {  	vm2 =	veq.f32 v50, v45;
	vm14 =	veq.f32 v6, v45;
	[tilespmem:$0x1FD00] =	vst v3;
	v3 =	vimm.s32 $0x0  }
0x190: {  	v6 =	vsel vm14, $0xFF61B1E6, v6;
	v0 =	vmax.f32 v0, $-3.000000010e+38;
	v3 =	vsel vm10, $0xFFFFFFFF, v3  }
0x191: {  	v51 =	vld [tilespmem:s31+$0x870];
	v0 =	vsel vm9, $0xFF61B1E6, v0;
	vm13 =	veq.f32 v63, v45;
	[tilespmem:$0x1FD90] =	vst v3;
	v3 =	vimm.s32 $0x0  }
0x192: {  	[tilespmem:$0x1FCE0] =	vst v4;
	v0 =	vmax.f32 v0, v36;
	v63 =	vsel vm13, $0xFF61B1E6, v63;
	v3 =	vsel vm7, $0xFFFFFFFF, v3  }
0x193: {  	v4 =	vld [tilespmem:s31+$0x860];
	v39 =	vsel vm13, $0x1, v32;
	vm9 =	veq.f32 v61, v45;
	[tilespmem:$0x1FD30] =	vst v3;
	v3 =	vsel vm0, $0xFF61B1E6, v62  }
0x194: {  	v62 =	vsel vm7, $0xFF61B1E6, v54;
	v54 =	vsel vm15, v8, v34;
	[tilespmem:$0x1FD80] =	vst v3;
	v3 =	vimm.s32 $0x0  }
0x195: {  	v54 =	vsel vm6, v9, v54;
	v0 =	vmax.f32 v0, v62;
	v3 =	vsel vm5, $0xFFFFFFFF, v3  }
0x196: {  	v25 =	vmovc v8;
	v8 =	vld [tilespmem:s31+$0x70];
	vm5 =	veq.f32 v51, v45;
	v54 =	vsel vm0, v10, v54;
	v0 =	vmax.f32 v0, v5  }
0x197: {  	v46 =	vmovc v9;
	v9 =	vld [tilespmem:s31+$0x840];
	v5 =	vsel vm12, $0x1, v32;
	[tilespmem:$0x1FD40] =	vst v3;
	v3 =	vsel vm7, $0x1, v32;
	v53 =	vsel vm5, $0x1, v32  }
0x198: {  	v7 =	vsel vm5, $0xFFFFFFFF, v7;
	v37 =	vsel vm3, v11, v54;
	vm7 =	veq.f32 v4, v45  }
0x199: {  	v29 =	vmovc v12;
	[tilespmem:$0x1FD50] =	vst v7;
	v7 =	vsel vm12, $0xFF61B1E6, v59;
	v55 =	vsel vm4, v12, v37;
	v3 =	vadd.s32 v3, v58  }
0x19a: {  	v44 =	vmovc v33;
	v24 =	vmovc v28;
	v12 =	vld [tilespmem:s31+$0x830];
	v58 =	vsel vm7, $0xFF61B1E6, v4;
	v38 =	vsel vm11, v13, v55;
	v3 =	vadd.s32 v35, v3  }
0x19b: {  	v28 =	vmovc v11;
	v4 =	vld [tilespmem:s31+$0x820];
	vm10 =	veq.f32 v8, v45;
	v0 =	vmax.f32 v0, v7;
	v11 =	vsel vm5, v14, v38  }
0x19c: {  	v33 =	vmovc v15;
	vm8 =	veq.f32 v9, v45;
	v3 =	vadd.s32 v5, v3;
	v11 =	vsel vm7, v15, v11;
	v15 =	vld [tilespmem:s31+$0x420]  }
0x19d: {  	v42 =	vmovc v30;
	v30 =	vmovc v13;
	v5 =	vsel vm14, $0x1, v32;
	v13 =	vsel vm10, $0x1, v32;
	v8 =	vsel vm10, $0xFF61B1E6, v8  }
0x19e: {  	v23 =	vmovc v27;
	v27 =	vmovc v10;
	v10 =	vld [tilespmem:s31+$0x400];
	v0 =	vmax.f32 v0, v63;
	v59 =	vsel vm8, $0x1, v32;
	v11 =	vsel vm9, v16, v11  }
0x19f: {  	v36 =	vmovc v17;
	v9 =	vsel vm8, $0xFF61B1E6, v9;
	v3 =	vadd.s32 v39, v3;
	v11 =	vsel vm8, v17, v11;
	v17 =	vld [tilespmem:s31+$0x800]  }
0x1a0: {  	v63 =	vld [tilespmem:s31+$0x470];
	v0 =	vmax.f32 v0, v6;
	v3 =	vadd.s32 v5, v3;
	vm0 =	veq.f32 v12, v45  }
0x1a1: {  	v37 =	vmovc v18;
	vm5 =	veq.f32 v4, v45;
	v11 =	vsel vm0, v18, v11;
	v18 =	vld [tilespmem:s31+$0x460];
	vm6 =	veq.f32 v15, v45  }
0x1a2: {  	v3 =	vadd.s32 v13, v3;
	v13 =	vsel vm6, $0xFF61B1E6, v15;
	v15 =	vsel vm2, $0xFF61B1E6, v50;
	v50 =	vld [tilespmem:$0x1FFD0]  }
0x1a3: {  	v0 =	vmax.f32 v0, v8;
	vm8 =	veq.f32 v10, v45;
	v11 =	vsel vm5, v19, v11  }
0x1a4: {  	v8 =	vld [tilespmem:s31+$0x450];
	v7 =	vsel vm8, $0x1, v32;
	v11 =	vsel vm2, v20, v11;
	vm1 =	veq.f32 v17, v45  }
0x1a5: {  	v38 =	vmovc v19;
	v19 =	vld [tilespmem:s31+$0x440];
	vm4 =	veq.f32 v63, v45;
	v3 =	vadd.s32 v7, v3;
	v11 =	vsel vm1, v21, v11  }
0x1a6: {  	v7 =	vsel vm9, $0xFF61B1E6, v61;
	v61 =	vld [tilespmem:$0x1FFE0];
	vm3 =	veq.f32 v18, v45;
	v11 =	vsel vm4, v22, v11  }
0x1a7: {  	v11 =	vsel vm3, v50, v11;
	v50 =	vld [tilespmem:$0x1FFF0];
	_ =	sdelay $0x1  }
0x1a8: {  	v26 =	vbroadcast v43, $0x0  }
0x1a9: {  	v43 =	vmovc v31;
	v31 =	vmovc v14;
	v62 =	vsel vm2, $0x1, v32;
	v14 =	vld [tilespmem:s31+$0x410];
	v34 =	vsel vm0, $0x1, v32;
	vm2 =	veq.f32 v8, v45  }
0x1aa: {  	v5 =	vld [tilespmem:s31+$0x430];
	v12 =	vsel vm0, $0xFF61B1E6, v12;
	vm0 =	veq.f32 v19, v45;
	v11 =	vsel vm2, v61, v11  }
0x1ab: {  	v11 =	vsel vm0, v50, v11;
	v50 =	vld [tilespmem:$0x1FF80];
	_ =	sdelay $0x2  }
0x1ac: {  	v60 =	vsel vm9, $0x1, v32  }
0x1ad: {  	v55 =	vsel vm7, $0x1, v32;
	vm7 =	veq.f32 v14, v45;
	vm9 =	veq.f32 v5, v45  }
0x1ae: {  	v6 =	vsel vm7, $0x1, v32;
	v11 =	vsel vm9, v50, v11;
	v50 =	vld [tilespmem:$0x1FF90]  }
0x1af: {  	v10 =	vsel vm8, $0xFF61B1E6, v10;
	v3 =	vadd.s32 v6, v3;
	v6 =	vld [tilespmem:$0x1FFC0]  }
0x1b0: {  	v0 =	vmax.f32 v0, v10;
	v14 =	vsel vm7, $0xFF61B1E6, v14  }
0x1b1: {  	v0 =	vmax.f32 v0, v14  }
0x1b2: {  	v10 =	vsel vm6, $0x1, v32;
	v0 =	vmax.f32 v0, v13  }
0x1b3: {  	v5 =	vsel vm9, $0xFF61B1E6, v5;
	v3 =	vadd.s32 v10, v3;
	v50 =	vsel vm6, v50, v11  }
0x1b4: {  	v0 =	vmax.f32 v0, v5;
	v19 =	vsel vm0, $0xFF61B1E6, v19;
	v6 =	vsel vm7, v6, v50  }
0x1b5: {  	v8 =	vsel vm2, $0xFF61B1E6, v8;
	v10 =	vmovc v27;
	v27 =	vmovc v23;
	v0 =	vmax.f32 v0, v19;
	v6 =	vsel vm8, v23, v6;
	v23 =	vld [tilespmem:$0x1FCE0]  }
0x1b6: {  	v13 =	vsel vm3, $0xFF61B1E6, v18;
	v0 =	vmax.f32 v0, v8  }
0x1b7: {  	v18 =	vsel vm4, $0xFF61B1E6, v63;
	v0 =	vmax.f32 v0, v13  }
0x1b8: {  	v17 =	vsel vm1, $0xFF61B1E6, v17;
	v0 =	vmax.f32 v0, v18;
	v11 =	vmovc v28;
	v28 =	vmov v24  }
0x1b9: {  	v4 =	vsel vm5, $0xFF61B1E6, v4;
	v0 =	vmax.f32 v0, v17;
	v6 =	vsel vm10, v28, v6  }
0x1ba: {  	v0 =	vmax.f32 v0, v15;
	v6 =	vsel vm14, v42, v6;
	vm14 =	vnez.u8 v23;
	v23 =	vld [tilespmem:$0x1FFB0]  }
0x1bb: {  	v0 =	vmax.f32 v0, v4;
	v4 =	vld [tilespmem:$0x1FD10];
	_ =	sdelay $0x3  }
0x1bc: {  	v14 =	vsel vm4, $0x1, v32;
	v6 =	vsel vm13, v23, v6  }
0x1bd: {  	v0 =	vmax.f32 v0, v12;
	vm4 =	vnez.u8 v4;
	v23 =	vld [tilespmem:$0x1FD30];
	v6 =	vsel vm12, v44, v6  }
0x1be: {  	v0 =	vmax.f32 v0, v9;
	v4 =	vsel vm4, v43, v6;
	v6 =	vld [tilespmem:$0x1FF70]  }
0x1bf: {  	v0 =	vmax.f32 v0, v7;
	v7 =	vld [tilespmem:$0x1FD50];
	_ =	sdelay $0x2  }
0x1c0: {  	[tilespmem:v26+s14+$0x0] =	vst.idx.msk $0x1, v45;
	v5 =	vld [tilespmem:$0x1FCB0];
	v45 =	vsel vm5, $0x1, v32;
	vm5 =	vnez.u8 v23  }
0x1c1: {  	v4 =	vsel vm5, v6, v4;
	v6 =	vld [tilespmem:$0x1FD40]  }
0x1c2: {  	vm7 =	vnez.u8 v7;
	v23 =	vld [tilespmem:$0x1FD70]  }
0x1c3: {  	v0 =	vmax.f32 v0, v58;
	v7 =	vsel vm7, $0xFF61B1E6, v51  }
0x1c4: {  	v0 =	vmax.f32 v0, v7;
	v7 =	vld [tilespmem:$0x1FD60]  }
0x1c5: {  	v61 =	vsel vm9, $0x1, v32;
	vm9 =	vnez.u8 v5  }
0x1c6: {  	v5 =	vsel vm9, $0x1, v32;
	vm6 =	vnez.u8 v6;
	v6 =	vsel vm11, $0xFF61B1E6, v52  }
0x1c7: {  	v0 =	vmax.f32 v0, v6;
	v6 =	vsel vm9, $0xFF61B1E6, v47;
	vm9 =	vnez.u8 v23;
	v23 =	vld [tilespmem:$0x1FD80]  }
0x1c8: {  	v41 =	vld [tilespmem:$0x1FCA0]  }
0x1c9: {  	vm8 =	vnez.u8 v7  }
0x1ca: {  	v0 =	vmax.f32 v0, v6;
	v6 =	vsel vm8, $0xFF61B1E6, v49  }
0x1cb: {  	v57 =	vsel vm15, $0xFF61B1E6, v57;
	v0 =	vmax.f32 v0, v6  }
0x1cc: {  	v63 =	vsel vm0, $0x1, v32;
	v3 =	vadd.s32 v61, v3;
	v0 =	vmax.f32 v0, v23;
	v23 =	vld [tilespmem:$0x1FD90]  }
0x1cd: {  	vm15 =	vnez.u8 v41;
	v41 =	vmovc v22;
	v22 =	vsel vm2, $0x1, v32;
	v3 =	vadd.s32 v63, v3  }
0x1ce: {  	v39 =	vmov v21;
	v21 =	vsel vm3, $0x1, v32;
	v3 =	vadd.s32 v22, v3  }
0x1cf: {  	v3 =	vadd.s32 v21, v3  }
0x1d0: {  	v35 =	vmovc v2;
	v2 =	vmovc v1;
	v1 =	vmov v20;
	v20 =	vsel vm1, $0x1, v32;
	v3 =	vadd.s32 v14, v3  }
0x1d1: {  	v3 =	vadd.s32 v20, v3;
	vm10 =	vnez.u8 v23;
	v23 =	vld [tilespmem:$0x1FDA0]  }
0x1d2: {  	v3 =	vadd.s32 v62, v3  }
0x1d3: {  	v3 =	vadd.s32 v45, v3  }
0x1d4: {  	v3 =	vadd.s32 v34, v3  }
0x1d5: {  	v3 =	vadd.s32 v59, v3  }
0x1d6: {  	v3 =	vadd.s32 v60, v3;
	v0 =	vmax.f32 v0, v23;
	v23 =	vld [tilespmem:$0x1FDB0]  }
0x1d7: {  	v56 =	vsel vm15, $0xFF61B1E6, v56;
	v54 =	vsel vm11, $0x1, v32;
	v19 =	vmovc v38;
	v38 =	vld [tilespmem:$0x1FCC0];
	v3 =	vadd.s32 v55, v3  }
0x1d8: {  	p0 =	sne.s32 s30, $0x18;
	v8 =	vmovc v25;
	v13 =	vmovc v30;
	v30 =	vmov v42;
	v17 =	vmov v36;
	v36 =	vld [tilespmem:$0x1FCF0];
	v3 =	vadd.s32 v53, v3  }
.Ltmp8:
0x1d9: {  	v18 =	vmovc v37;
	v22 =	vmovc v41;
	v21 =	vmov v39;
	v39 =	vld [tilespmem:$0x1FD00];
	v15 =	vmov v33;
	v3 =	vadd.s32 v54, v3;
	(pc) =	sbr.rel @p0 .LBB2_8-.Ltmp8, $4  }
0x1da: {  	v20 =	vmovc v1;
	v1 =	vmovc v2;
	v2 =	vmov v35;
	v35 =	vld [tilespmem:$0x1FD20];
	v3 =	vadd.s32 v5, v3;
	v5 =	vimm.f32 $-3.000000010e+38  }
0x1db: {  	v33 =	vmovc v44;
	v14 =	vmovc v31;
	v24 =	vld [tilespmem:$0x1FCD0];
	v7 =	vsel vm8, $0x1, v32;
	v4 =	vsel vm6, v1, v4;
	vm11 =	vnez.u8 v23  }
0x1dc: {  	v31 =	vmovc v43;
	v9 =	vmovc v46;
	v46 =	vsel vm9, $0x1, v32;
	v49 =	vadd.s32 v7, v3;
	v7 =	vld [tilespmem:$0x1FF60];
	v4 =	vsel vm11, v2, v4  }
0x1dd: {  	s30 =	sadd.s32 $0x1, s30;
	v12 =	vmovc v29;
	v6 =	vld [tilespmem:$0x1FFA0];
	v48 =	vsel vm10, $0xFF61B1E6, v48;
	v47 =	vsel vm10, $0x1, v32;
	v50 =	vmax.f32 v0, v57;
	(xrf0) =	vmin.scan.msk.u32 $0xffff, v4  }
0x1de: {  	v0 =	vadd.s32 v39, v49;
	v3 =	vsel vm14, $0x1, v32  }
0x1df: {  	v0 =	vadd.s32 v3, v0;
	v3 =	vmax.f32 v50, v56  }
0x1e0: {  	v3 =	vmax.f32 v3, v48  }
0x1e1: {  	v4 =	vsel vm15, $0x1, v32;
	v0 =	vadd.s32 v46, v0  }
0x1e2: {  	v0 =	vadd.s32 v4, v0  }
0x1e3: {  	(xrf0) =	vmax.scan.msk.f32 $0xffff, v3;
	v0 =	vadd.s32 v47, v0;
	v3, _, _ =	vpop (xrf0)  }
0x1e4: {  	(xrf0) =	vadd.scan.msk.s32 $0xffff, v0;
	(v2sf) =	vpush v3, $0xF;
	_ =	sdelay $0x4  }
0x1e5: {  	v0, _, _ =	vpop (xrf0)  }
0x1e6: {  	(v2sf) =	vpush v0, $0xF;
	v0, _, _ =	vpop (xrf0)  }
0x1e7: {  	(v2sf) =	vpush v0, $0xF  }
0x1e8: {  	(v2sf) =	vpush v35, $0xF;
	_ =	sdelay $0x6  }
0x1e9: {  	s0 =	spop (v2sf)  }
0x1ea: {  	s0 =	sxor.u32 $0x80000000, s0  }
0x1eb: {  	v0 =	vand.u32 $0x380, v38;
	v3 =	vmov s0  }
0x1ec: {  	v0 =	vor.u32 v0, v36;
	v4 =	vand.u32 $0x7F, v3;
	v3 =	vshll.u32 v3, $0x3  }
0x1ed: {  	v23 =	vld [tilespmem:$0x1FFF0];
	v3 =	vand.u32 $0xFFFFFC00, v3;
	v0 =	vor.u32 v4, v0  }
0x1ee: {  	s1 =	sshll.u32 s29, $0x9;
	v25 =	vld [tilespmem:$0x1FF90];
	v0 =	vadd.s32 v3, v0;
	v3 =	vand.u32 $0x7F, v40  }
0x1ef: {  	v34 =	vld [tilespmem:$0x1FFC0];
	s0 =	sadd.s32 s1, s0;
	s12 =	spop (v2sf);
	v3 =	vor.u32 v3, v24  }
.Ltmp9:
0x1f0: {  	v29 =	vld [tilespmem:$0x1FFB0];
	v4 =	vmov s0;
	s31 =	spop (v2sf);
	(pc) =	sbr.rel .LBB2_10-.Ltmp9, $4  }
0x1f1: {  	[tilespmem:v26+s15+$0x0] =	vst.idx.msk $0x1, v4;
	v4 =	vld [tilespmem:$0x1FFE0];
	p0 =	sgt.s32 s31, $0x1;
	s0 =	spop (v2sf)  }
0x1f2: {  	v26 =	vld [tilespmem:$0x1FF70];
	s12 =	smov.u32 @p0 s0  }
0x1f3: {  	v24 =	vld [tilespmem:$0x1FF80];
	[tilespmem:v0+s16+$0x0] =	vst.idx.msk $0x1, v5;
	v0 =	vmov s12  }
0x1f4: {  	[tilespmem:v3+s17+$0x0] =	vst.idx.msk $0x1, v0;
	v3 =	vld [tilespmem:$0x1FFD0]  }
.LBB2_12:
0x1f5: {  	_ =	sfence.sel $0x180000  }
0x1f6: {  	[bflag:$0x0] =	sbarrier.arrive $0xFFFF  }
0x1f7: {  	_ =	strace $0x90000047  }
0x1f8: {  	s0 =	stileid.u32;
	[bflag:$0x2] =	sbarrier.arrive $0xFFFF  }
0x1f9: {  	p0 =	sne.s32 s0, $0x0;
	s0 =	rddreg [dreg:$0x1]  }
0x1fa: {  	s0 =	sadd.s32 @!p0 $0x100000, s0  }
0x1fb: {  	[sflag:s0] =	ssyncadd.tile.s32 @!p0 $0x1;
	_ =	shalt  }
.Lfunc_end2:
_tile_overlayer_lowered:
.L_overlay_start_2:
0x1fc: {  	(tag) =	ssettag $0x2  }
0x1fd: {  	s0 =	rddreg [dreg:$0x0];
	s2 =	stileid.u32  }
0x1fe: {  	s1 =	rddreg [dreg:$0x1];
	p0 =	sne.s32 s2, $0x0  }
0x1ff: {  	s3 =	rddreg [dreg:$0x2];
	[bflag:$0x3] =	sbarrier.arrive $0xFFFF;
	s2 =	simm.s32 @!p0 $0x1C03  }
0x200: {  	[timem:s3], [sflag:s2] =	dma.local @!p0 [hbm:s0], s1  }
0x201: {  	s0 =	simm.s32 @!p0 $0x3  }
0x202: {  	_ =	swait.ge @!p0 [sflag:s0], s1  }
0x203: {  	s1 =	ssub.s32 @!p0 $0x0, s1;
	[sflag:s0] =	ssyncset.done @!p0 $0x0  }
0x204: {  	[sflag:s0] =	ssyncadd.s32 @!p0 s1  }
0x205: {  	[bflag:$0x3] =	sbarrier.arrive $0xFFFF  }
0x206: {  	_ =	shalt  }

</sc_bundles>
